<compile_context>
chip_gen: v7x
topology: tpu7x:2x2x1
jax: 0.10.2.dev20260603
libtpu: 0.0.44.dev20260713+nightly
codegen_flags: <defaults>
</compile_context>

<pallas_src>
import functools

import jax
import jax.numpy as jnp
from jax import lax
from jax.experimental import pallas as pl
from jax.experimental.pallas import tpu as pltpu
from jax.experimental.pallas import tpu_sc as plsc

KNBR = 3


def _knn_body(xrow_ref, xfull_ref, idx_ref, xt_ref, colsq_ref):
    xr = xrow_ref[0]
    xf = xfull_ref[0]
    R = xr.shape[1]
    N = xf.shape[1]

    @pl.when(pl.program_id(1) == 0)
    def _():
        colsq_ref[...] = jnp.sum(xf * xf, axis=0, keepdims=True)

    cross = lax.dot_general(-2.0 * xr, xf, (((0,), (0,)), ((), ())),
                            preferred_element_type=jnp.float32)
    rowsq = jnp.sum(xr * xr, axis=0, keepdims=True).T
    d = (rowsq + colsq_ref[...]) + cross
    base = pl.program_id(0) * N
    BIG = jnp.float32(1e30)
    for k in range(KNBR):
        iota = lax.broadcasted_iota(jnp.int32, (R, N), 1).astype(jnp.float32)
        m = jnp.min(d, axis=1, keepdims=True)
        cand = jnp.where(d == m, iota, BIG)
        a = jnp.min(cand, axis=1, keepdims=True)
        idx_ref[k, 0, 0] = a.astype(jnp.int32).T + base
        if k + 1 < KNBR:
            d = jnp.where(cand == a, BIG, d)
    xt_ref[0] = xr.T


def _knn_topk(x, g0, G, R):
    B, C, N = x.shape
    NB = N // R
    idx, xt = pl.pallas_call(
        _knn_body,
        grid=(G, NB),
        in_specs=[
            pl.BlockSpec((1, C, R), lambda b, j: (g0 + b, 0, j)),
            pl.BlockSpec((1, C, N), lambda b, j: (g0 + b, 0, 0)),
        ],
        out_specs=[
            pl.BlockSpec((KNBR, 1, 1, 1, R), lambda b, j: (0, b, j, 0, 0)),
            pl.BlockSpec((1, R, C), lambda b, j: (b, j, 0)),
        ],
        out_shape=[
            jax.ShapeDtypeStruct((KNBR, G, NB, 1, R), jnp.int32),
            jax.ShapeDtypeStruct((G, N, C), jnp.float32),
        ],
        scratch_shapes=[pltpu.VMEM((1, N), jnp.float32)],
    )(x, x)
    return idx.reshape(KNBR, G * N), xt.reshape(G * N, C)


def _gather_stage(xt, gid):
    N, C = xt.shape
    info = plsc.get_sparse_core_info()
    NW = info.num_cores * info.num_subcores
    CH = N // NW
    gid3 = gid.reshape(KNBR, NW, CH)
    mesh = plsc.VectorSubcoreMesh(core_axis_name="c", subcore_axis_name="s")

    @functools.partial(
        pl.kernel,
        out_type=jax.ShapeDtypeStruct((KNBR, N, C), jnp.float32),
        mesh=mesh,
        scratch_types=[
            pltpu.VMEM((KNBR, 1, CH), jnp.int32),
            pltpu.VMEM((KNBR, CH, C), jnp.float32),
            pltpu.SemaphoreType.DMA,
            pltpu.SemaphoreType.DMA,
        ],
    )
    def gather_k(xt_hbm, gid_hbm, out_hbm, idx_v, rows_v, gsem, ssem):
        wid = lax.axis_index("s") * info.num_cores + lax.axis_index("c")
        base = wid * CH
        for k in range(KNBR):
            pltpu.sync_copy(gid_hbm.at[k, pl.ds(wid, 1)], idx_v.at[k])
        cps = [
            pltpu.async_copy(xt_hbm.at[idx_v.at[k, 0]], rows_v.at[k], gsem)
            for k in range(KNBR)
        ]
        scps = []
        for k in range(KNBR):
            cps[k].wait()
            scps.append(pltpu.async_copy(rows_v.at[k],
                                         out_hbm.at[k, pl.ds(base, CH)], ssem))
        for scp in scps:
            scp.wait()

    return gather_k(xt, gid3)


def _conv_body_first(g_ref, w_ref, bias_ref, out_ref):
    _conv_accum(g_ref, w_ref, bias_ref, out_ref)


def _conv_body_next(g_ref, w_ref, bias_ref, acc_ref, out_ref):
    del acc_ref
    _conv_accum(g_ref, w_ref, bias_ref, out_ref)


def _conv_accum(g_ref, w_ref, bias_ref, out_ref):
    OUT = w_ref.shape[1]
    R2 = g_ref.shape[2]
    acc = jnp.broadcast_to(bias_ref[...].T, (OUT, R2))
    for k in range(KNBR):
        acc = acc + lax.dot_general(w_ref[k], g_ref[k, 0],
                                    (((1,), (1,)), ((), ())),
                                    preferred_element_type=jnp.float32)
    out_ref[0] = acc


def _conv_stage(prime, w3, bias, acc_out, B, g0, G, N, R2):
    OUT, C = w3.shape[1], w3.shape[2]
    NB = N // R2
    in_specs = [
        pl.BlockSpec((KNBR, 1, R2, C), lambda b, j: (0, b, j, 0)),
        pl.BlockSpec((KNBR, OUT, C), lambda b, j: (0, 0, 0)),
        pl.BlockSpec((1, OUT), lambda b, j: (0, 0)),
    ]
    args = [prime.reshape(KNBR, G, N, C), w3, bias]
    body = _conv_body_first
    aliases = {}
    if acc_out is not None:
        in_specs.append(pl.BlockSpec(memory_space=pl.ANY))
        args.append(acc_out)
        body = _conv_body_next
        aliases = {3: 0}
    return pl.pallas_call(
        body,
        grid=(G, NB),
        in_specs=in_specs,
        out_specs=pl.BlockSpec((1, OUT, R2), lambda b, j: (g0 + b, 0, j)),
        out_shape=jax.ShapeDtypeStruct((B, OUT, N), jnp.float32),
        input_output_aliases=aliases,
    )(*args)


def kernel(x, W, b):
    B, C, N = x.shape
    OUT = W.shape[0]
    G = 2
    w3 = jnp.transpose(W, (2, 0, 1))
    brow = b.reshape(1, OUT)
    out = None
    for g in range(0, B, G):
        idx, xt = _knn_topk(x, g, G, R=1024)
        prime = _gather_stage(xt, idx)
        out = _conv_stage(prime, w3, brow, out, B, g, G, N, R2=1024)
    return out

# --- scband reference (transcript-rebuilt; emitter-appended) ---
"""Pipeline reference for scband-conv1d-nn-4818953307006 (READ-ONLY COPY).

The authoritative reference and input builder live on the scoring server;
editing this copy changes nothing except your own understanding.
"""

import jax, jax.numpy as jnp
import numpy as np

K = 3
STRIDE = 3


def setup_inputs(seed: int = 0) -> dict:
    key = jax.random.key(seed)
    k1, k2, k3 = jax.random.split(key, 3)
    B, C, N = 4, 128, 2048
    OUT = 128
    x = jax.random.normal(k1, (B, C, N), dtype=jnp.float32)
    fan_in = C * K
    W = jax.random.uniform(k2, (OUT, C, K), dtype=jnp.float32,
                           minval=-1.0 / np.sqrt(fan_in), maxval=1.0 / np.sqrt(fan_in))
    b = jax.random.uniform(k3, (OUT,), dtype=jnp.float32,
                           minval=-1.0 / np.sqrt(fan_in), maxval=1.0 / np.sqrt(fan_in))
    return {"x": x, "W": W, "b": b}


def _nnt_prime(x):
    # x: [B, C, N] -> prime: [B, C, N*K] by gathering each token's K nearest neighbors
    xt = jnp.transpose(x, (0, 2, 1))  # [B, N, C]
    sq = jnp.sum(xt * xt, axis=-1)    # [B, N]
    # squared euclidean distance matrix via matmul (same ordering as torch.cdist)
    dist = sq[:, :, None] + sq[:, None, :] - 2.0 * jnp.einsum('bnc,bmc->bnm', xt, xt)
    # K smallest distances (self included), like torch.topk(largest=False)
    _, idx = jax.lax.top_k(-dist, K)  # idx: [B, N, K]

    def gather_one(xt_b, idx_b):
        nb = xt_b[idx_b]                       # [N, K, C]
        nb = jnp.transpose(nb, (2, 0, 1))      # [C, N, K]
        return nb.reshape(nb.shape[0], -1)     # [C, N*K]

    prime = jax.vmap(gather_one)(xt, idx)      # [B, C, N*K]
    return prime


def reference(x, W, b):
    prime = _nnt_prime(x)
    out = jax.lax.conv_general_dilated(
        prime, W,
        window_strides=(STRIDE,),
        padding='VALID',
        dimension_numbers=('NCH', 'OIH', 'NCH'))
    out = out + b[None, :, None]
    return out

if __name__ == "__main__":
    import jax
    _d = setup_inputs()
    print(jax.jit(kernel)(*tuple(_d.values())))

</pallas_src>

<mosaic_0001>
#map = affine_map<(d0, d1) -> (0, 0)>
#map1 = affine_map<(d0, d1) -> (0, 0, 0)>
module attributes {stable_mosaic.version = 14 : i64} {
  func.func @gather_k(%arg0: i32, %arg1: i32, %arg2: memref<4096x128xf32, #tpu.memory_space<hbm>>, %arg3: memref<3x32x128xi32, #tpu.memory_space<hbm>>, %arg4: memref<3x4096x128xf32, #tpu.memory_space<hbm>>, %arg5: memref<3x1x128xi32, #tpu.memory_space<vmem>>, %arg6: memref<3x128x128xf32, #tpu.memory_space<vmem>>, %arg7: memref<!tpu.dma_semaphore, #tpu.memory_space<semaphore_mem>>, %arg8: memref<!tpu.dma_semaphore, #tpu.memory_space<semaphore_mem>>) attributes {dimension_semantics = [#tpu.dimension_semantics<core_parallel>, #tpu.dimension_semantics<subcore_parallel>], iteration_bounds = array<i64: 2, 16>, scalar_prefetch = 0 : i64, scratch_operands = 4 : i64, tpu.core_type = #tpu.core_type<sc_vector_subcore>, window_params = [{transform_indices = #map}, {transform_indices = #map1}, {transform_indices = #map1}]} {
    %mul3A = arith.constant 2 : i32
    %mul3A_0 = arith.muli %arg1, %mul3A : i32
    %add3A = arith.addi %mul3A_0, %arg0 : i32
    %mul3A_1 = arith.constant 128 : i32
    %mul3A_2 = arith.muli %add3A, %mul3A_1 : i32
    %run_scoped3A = arith.constant 0 : i32
    %run_scoped3A_3 = arith.constant 0 : i32
    "tpu.region"() ({
      %run_scoped3A_180 = tpu.sem_alloc : memref<!tpu.dma_semaphore, #tpu.memory_space<semaphore_mem>>
      %dma_start3A_181 = arith.constant 0 : i32
      %dma_start3A_182 = arith.constant 0 : i32
      %dma_start3A_183 = tpu.memref_slice %arg5[%run_scoped3A_3, %dma_start3A_181, %dma_start3A_182] : memref<3x1x128xi32, #tpu.memory_space<vmem>> -> memref<1x1x128xi32, #tpu.memory_space<vmem>>
      %dma_start3A_184 = tpu.memref_squeeze %dma_start3A_183 : memref<1x1x128xi32, #tpu.memory_space<vmem>> -> memref<1x128xi32, #tpu.memory_space<vmem>>
      %dma_start3A_185 = arith.constant 0 : i32
      %dma_start3A_186 = tpu.memref_slice %arg3[%run_scoped3A, %add3A, %dma_start3A_185] : memref<3x32x128xi32, #tpu.memory_space<hbm>> -> memref<1x1x128xi32, #tpu.memory_space<hbm>>
      %dma_start3A_187 = tpu.memref_squeeze %dma_start3A_186 : memref<1x1x128xi32, #tpu.memory_space<hbm>> -> memref<1x128xi32, #tpu.memory_space<hbm>>
      %dma_start3A_188 = arith.constant 0 : i32
      %dma_start3A_189 = arith.constant 0 : i32
      %dma_start3A_190 = tpu.memref_slice %arg5[%run_scoped3A_3, %dma_start3A_188, %dma_start3A_189] : memref<3x1x128xi32, #tpu.memory_space<vmem>> -> memref<1x1x128xi32, #tpu.memory_space<vmem>>
      %dma_start3A_191 = tpu.memref_squeeze %dma_start3A_190 : memref<1x1x128xi32, #tpu.memory_space<vmem>> -> memref<1x128xi32, #tpu.memory_space<vmem>>
      %dma_start3A_192 = arith.constant 0 : i32
      %dma_start3A_193 = tpu.memref_slice %arg3[%run_scoped3A, %add3A, %dma_start3A_192] : memref<3x32x128xi32, #tpu.memory_space<hbm>> -> memref<1x1x128xi32, #tpu.memory_space<hbm>>
      %dma_start3A_194 = tpu.memref_squeeze %dma_start3A_193 : memref<1x1x128xi32, #tpu.memory_space<hbm>> -> memref<1x128xi32, #tpu.memory_space<hbm>>
      tpu.enqueue_dma source(%dma_start3A_194 : memref<1x128xi32, #tpu.memory_space<hbm>>) target(%dma_start3A_191 : memref<1x128xi32, #tpu.memory_space<vmem>>) target_semaphore(%run_scoped3A_180 : memref<!tpu.dma_semaphore, #tpu.memory_space<semaphore_mem>>)
      %dma_wait3A_195 = arith.constant 0 : i32
      %dma_wait3A_196 = arith.constant 0 : i32
      %dma_wait3A_197 = tpu.memref_slice %arg5[%run_scoped3A_3, %dma_wait3A_195, %dma_wait3A_196] : memref<3x1x128xi32, #tpu.memory_space<vmem>> -> memref<1x1x128xi32, #tpu.memory_space<vmem>>
      %dma_wait3A_198 = tpu.memref_squeeze %dma_wait3A_197 : memref<1x1x128xi32, #tpu.memory_space<vmem>> -> memref<1x128xi32, #tpu.memory_space<vmem>>
      %dma_wait3A_199 = arith.constant 0 : i32
      %dma_wait3A_200 = tpu.memref_slice %arg3[%run_scoped3A, %add3A, %dma_wait3A_199] : memref<3x32x128xi32, #tpu.memory_space<hbm>> -> memref<1x1x128xi32, #tpu.memory_space<hbm>>
      %dma_wait3A_201 = tpu.memref_squeeze %dma_wait3A_200 : memref<1x1x128xi32, #tpu.memory_space<hbm>> -> memref<1x128xi32, #tpu.memory_space<hbm>>
      %dma_wait3A_202 = arith.constant 0 : i32
      %dma_wait3A_203 = arith.constant 0 : i32
      %dma_wait3A_204 = tpu.memref_slice %arg5[%run_scoped3A_3, %dma_wait3A_202, %dma_wait3A_203] : memref<3x1x128xi32, #tpu.memory_space<vmem>> -> memref<1x1x128xi32, #tpu.memory_space<vmem>>
      %dma_wait3A_205 = tpu.memref_squeeze %dma_wait3A_204 : memref<1x1x128xi32, #tpu.memory_space<vmem>> -> memref<1x128xi32, #tpu.memory_space<vmem>>
      %dma_wait3A_206 = arith.constant 0 : i32
      %dma_wait3A_207 = tpu.memref_slice %arg3[%run_scoped3A, %add3A, %dma_wait3A_206] : memref<3x32x128xi32, #tpu.memory_space<hbm>> -> memref<1x1x128xi32, #tpu.memory_space<hbm>>
      %dma_wait3A_208 = tpu.memref_squeeze %dma_wait3A_207 : memref<1x1x128xi32, #tpu.memory_space<hbm>> -> memref<1x128xi32, #tpu.memory_space<hbm>>
      tpu.wait_dma2 semaphore(%run_scoped3A_180 : memref<!tpu.dma_semaphore, #tpu.memory_space<semaphore_mem>>) src(%dma_wait3A_208 : memref<1x128xi32, #tpu.memory_space<hbm>>) dst(%dma_wait3A_205 : memref<1x128xi32, #tpu.memory_space<vmem>>)
      tpu.yield
    }) : () -> ()
    %run_scoped3A_4 = arith.constant 1 : i32
    %run_scoped3A_5 = arith.constant 1 : i32
    "tpu.region"() ({
      %run_scoped3A_180 = tpu.sem_alloc : memref<!tpu.dma_semaphore, #tpu.memory_space<semaphore_mem>>
      %dma_start3A_181 = arith.constant 0 : i32
      %dma_start3A_182 = arith.constant 0 : i32
      %dma_start3A_183 = tpu.memref_slice %arg5[%run_scoped3A_5, %dma_start3A_181, %dma_start3A_182] : memref<3x1x128xi32, #tpu.memory_space<vmem>> -> memref<1x1x128xi32, #tpu.memory_space<vmem>>
      %dma_start3A_184 = tpu.memref_squeeze %dma_start3A_183 : memref<1x1x128xi32, #tpu.memory_space<vmem>> -> memref<1x128xi32, #tpu.memory_space<vmem>>
      %dma_start3A_185 = arith.constant 0 : i32
      %dma_start3A_186 = tpu.memref_slice %arg3[%run_scoped3A_4, %add3A, %dma_start3A_185] : memref<3x32x128xi32, #tpu.memory_space<hbm>> -> memref<1x1x128xi32, #tpu.memory_space<hbm>>
      %dma_start3A_187 = tpu.memref_squeeze %dma_start3A_186 : memref<1x1x128xi32, #tpu.memory_space<hbm>> -> memref<1x128xi32, #tpu.memory_space<hbm>>
      %dma_start3A_188 = arith.constant 0 : i32
      %dma_start3A_189 = arith.constant 0 : i32
      %dma_start3A_190 = tpu.memref_slice %arg5[%run_scoped3A_5, %dma_start3A_188, %dma_start3A_189] : memref<3x1x128xi32, #tpu.memory_space<vmem>> -> memref<1x1x128xi32, #tpu.memory_space<vmem>>
      %dma_start3A_191 = tpu.memref_squeeze %dma_start3A_190 : memref<1x1x128xi32, #tpu.memory_space<vmem>> -> memref<1x128xi32, #tpu.memory_space<vmem>>
      %dma_start3A_192 = arith.constant 0 : i32
      %dma_start3A_193 = tpu.memref_slice %arg3[%run_scoped3A_4, %add3A, %dma_start3A_192] : memref<3x32x128xi32, #tpu.memory_space<hbm>> -> memref<1x1x128xi32, #tpu.memory_space<hbm>>
      %dma_start3A_194 = tpu.memref_squeeze %dma_start3A_193 : memref<1x1x128xi32, #tpu.memory_space<hbm>> -> memref<1x128xi32, #tpu.memory_space<hbm>>
      tpu.enqueue_dma source(%dma_start3A_194 : memref<1x128xi32, #tpu.memory_space<hbm>>) target(%dma_start3A_191 : memref<1x128xi32, #tpu.memory_space<vmem>>) target_semaphore(%run_scoped3A_180 : memref<!tpu.dma_semaphore, #tpu.memory_space<semaphore_mem>>)
      %dma_wait3A_195 = arith.constant 0 : i32
      %dma_wait3A_196 = arith.constant 0 : i32
      %dma_wait3A_197 = tpu.memref_slice %arg5[%run_scoped3A_5, %dma_wait3A_195, %dma_wait3A_196] : memref<3x1x128xi32, #tpu.memory_space<vmem>> -> memref<1x1x128xi32, #tpu.memory_space<vmem>>
      %dma_wait3A_198 = tpu.memref_squeeze %dma_wait3A_197 : memref<1x1x128xi32, #tpu.memory_space<vmem>> -> memref<1x128xi32, #tpu.memory_space<vmem>>
      %dma_wait3A_199 = arith.constant 0 : i32
      %dma_wait3A_200 = tpu.memref_slice %arg3[%run_scoped3A_4, %add3A, %dma_wait3A_199] : memref<3x32x128xi32, #tpu.memory_space<hbm>> -> memref<1x1x128xi32, #tpu.memory_space<hbm>>
      %dma_wait3A_201 = tpu.memref_squeeze %dma_wait3A_200 : memref<1x1x128xi32, #tpu.memory_space<hbm>> -> memref<1x128xi32, #tpu.memory_space<hbm>>
      %dma_wait3A_202 = arith.constant 0 : i32
      %dma_wait3A_203 = arith.constant 0 : i32
      %dma_wait3A_204 = tpu.memref_slice %arg5[%run_scoped3A_5, %dma_wait3A_202, %dma_wait3A_203] : memref<3x1x128xi32, #tpu.memory_space<vmem>> -> memref<1x1x128xi32, #tpu.memory_space<vmem>>
      %dma_wait3A_205 = tpu.memref_squeeze %dma_wait3A_204 : memref<1x1x128xi32, #tpu.memory_space<vmem>> -> memref<1x128xi32, #tpu.memory_space<vmem>>
      %dma_wait3A_206 = arith.constant 0 : i32
      %dma_wait3A_207 = tpu.memref_slice %arg3[%run_scoped3A_4, %add3A, %dma_wait3A_206] : memref<3x32x128xi32, #tpu.memory_space<hbm>> -> memref<1x1x128xi32, #tpu.memory_space<hbm>>
      %dma_wait3A_208 = tpu.memref_squeeze %dma_wait3A_207 : memref<1x1x128xi32, #tpu.memory_space<hbm>> -> memref<1x128xi32, #tpu.memory_space<hbm>>
      tpu.wait_dma2 semaphore(%run_scoped3A_180 : memref<!tpu.dma_semaphore, #tpu.memory_space<semaphore_mem>>) src(%dma_wait3A_208 : memref<1x128xi32, #tpu.memory_space<hbm>>) dst(%dma_wait3A_205 : memref<1x128xi32, #tpu.memory_space<vmem>>)
      tpu.yield
    }) : () -> ()
    %run_scoped3A_6 = arith.constant 2 : i32
    %run_scoped3A_7 = arith.constant 2 : i32
    "tpu.region"() ({
      %run_scoped3A_180 = tpu.sem_alloc : memref<!tpu.dma_semaphore, #tpu.memory_space<semaphore_mem>>
      %dma_start3A_181 = arith.constant 0 : i32
      %dma_start3A_182 = arith.constant 0 : i32
      %dma_start3A_183 = tpu.memref_slice %arg5[%run_scoped3A_7, %dma_start3A_181, %dma_start3A_182] : memref<3x1x128xi32, #tpu.memory_space<vmem>> -> memref<1x1x128xi32, #tpu.memory_space<vmem>>
      %dma_start3A_184 = tpu.memref_squeeze %dma_start3A_183 : memref<1x1x128xi32, #tpu.memory_space<vmem>> -> memref<1x128xi32, #tpu.memory_space<vmem>>
      %dma_start3A_185 = arith.constant 0 : i32
      %dma_start3A_186 = tpu.memref_slice %arg3[%run_scoped3A_6, %add3A, %dma_start3A_185] : memref<3x32x128xi32, #tpu.memory_space<hbm>> -> memref<1x1x128xi32, #tpu.memory_space<hbm>>
      %dma_start3A_187 = tpu.memref_squeeze %dma_start3A_186 : memref<1x1x128xi32, #tpu.memory_space<hbm>> -> memref<1x128xi32, #tpu.memory_space<hbm>>
      %dma_start3A_188 = arith.constant 0 : i32
      %dma_start3A_189 = arith.constant 0 : i32
      %dma_start3A_190 = tpu.memref_slice %arg5[%run_scoped3A_7, %dma_start3A_188, %dma_start3A_189] : memref<3x1x128xi32, #tpu.memory_space<vmem>> -> memref<1x1x128xi32, #tpu.memory_space<vmem>>
      %dma_start3A_191 = tpu.memref_squeeze %dma_start3A_190 : memref<1x1x128xi32, #tpu.memory_space<vmem>> -> memref<1x128xi32, #tpu.memory_space<vmem>>
      %dma_start3A_192 = arith.constant 0 : i32
      %dma_start3A_193 = tpu.memref_slice %arg3[%run_scoped3A_6, %add3A, %dma_start3A_192] : memref<3x32x128xi32, #tpu.memory_space<hbm>> -> memref<1x1x128xi32, #tpu.memory_space<hbm>>
      %dma_start3A_194 = tpu.memref_squeeze %dma_start3A_193 : memref<1x1x128xi32, #tpu.memory_space<hbm>> -> memref<1x128xi32, #tpu.memory_space<hbm>>
      tpu.enqueue_dma source(%dma_start3A_194 : memref<1x128xi32, #tpu.memory_space<hbm>>) target(%dma_start3A_191 : memref<1x128xi32, #tpu.memory_space<vmem>>) target_semaphore(%run_scoped3A_180 : memref<!tpu.dma_semaphore, #tpu.memory_space<semaphore_mem>>)
      %dma_wait3A_195 = arith.constant 0 : i32
      %dma_wait3A_196 = arith.constant 0 : i32
      %dma_wait3A_197 = tpu.memref_slice %arg5[%run_scoped3A_7, %dma_wait3A_195, %dma_wait3A_196] : memref<3x1x128xi32, #tpu.memory_space<vmem>> -> memref<1x1x128xi32, #tpu.memory_space<vmem>>
      %dma_wait3A_198 = tpu.memref_squeeze %dma_wait3A_197 : memref<1x1x128xi32, #tpu.memory_space<vmem>> -> memref<1x128xi32, #tpu.memory_space<vmem>>
      %dma_wait3A_199 = arith.constant 0 : i32
      %dma_wait3A_200 = tpu.memref_slice %arg3[%run_scoped3A_6, %add3A, %dma_wait3A_199] : memref<3x32x128xi32, #tpu.memory_space<hbm>> -> memref<1x1x128xi32, #tpu.memory_space<hbm>>
      %dma_wait3A_201 = tpu.memref_squeeze %dma_wait3A_200 : memref<1x1x128xi32, #tpu.memory_space<hbm>> -> memref<1x128xi32, #tpu.memory_space<hbm>>
      %dma_wait3A_202 = arith.constant 0 : i32
      %dma_wait3A_203 = arith.constant 0 : i32
      %dma_wait3A_204 = tpu.memref_slice %arg5[%run_scoped3A_7, %dma_wait3A_202, %dma_wait3A_203] : memref<3x1x128xi32, #tpu.memory_space<vmem>> -> memref<1x1x128xi32, #tpu.memory_space<vmem>>
      %dma_wait3A_205 = tpu.memref_squeeze %dma_wait3A_204 : memref<1x1x128xi32, #tpu.memory_space<vmem>> -> memref<1x128xi32, #tpu.memory_space<vmem>>
      %dma_wait3A_206 = arith.constant 0 : i32
      %dma_wait3A_207 = tpu.memref_slice %arg3[%run_scoped3A_6, %add3A, %dma_wait3A_206] : memref<3x32x128xi32, #tpu.memory_space<hbm>> -> memref<1x1x128xi32, #tpu.memory_space<hbm>>
      %dma_wait3A_208 = tpu.memref_squeeze %dma_wait3A_207 : memref<1x1x128xi32, #tpu.memory_space<hbm>> -> memref<1x128xi32, #tpu.memory_space<hbm>>
      tpu.wait_dma2 semaphore(%run_scoped3A_180 : memref<!tpu.dma_semaphore, #tpu.memory_space<semaphore_mem>>) src(%dma_wait3A_208 : memref<1x128xi32, #tpu.memory_space<hbm>>) dst(%dma_wait3A_205 : memref<1x128xi32, #tpu.memory_space<vmem>>)
      tpu.yield
    }) : () -> ()
    %dma_start3A = arith.constant 0 : i32
    %dma_start3A_8 = arith.constant 0 : i32
    %dma_start3A_9 = arith.constant 0 : i32
    %dma_start3A_10 = arith.constant 0 : i32
    %dma_start3A_11 = arith.constant 0 : i32
    %dma_start3A_12 = tpu.memref_slice %arg6[%dma_start3A_9, %dma_start3A_10, %dma_start3A_11] : memref<3x128x128xf32, #tpu.memory_space<vmem>> -> memref<1x128x128xf32, #tpu.memory_space<vmem>>
    %dma_start3A_13 = tpu.memref_squeeze %dma_start3A_12 : memref<1x128x128xf32, #tpu.memory_space<vmem>> -> memref<128x128xf32, #tpu.memory_space<vmem>>
    %dma_start3A_14 = arith.constant 0 : i32
    %dma_start3A_15 = tpu.memref_slice %arg5[%dma_start3A, %dma_start3A_8, %dma_start3A_14] : memref<3x1x128xi32, #tpu.memory_space<vmem>> -> memref<1x1x128xi32, #tpu.memory_space<vmem>>
    %dma_start3A_16 = tpu.memref_squeeze %dma_start3A_15 : memref<1x1x128xi32, #tpu.memory_space<vmem>> -> memref<128xi32, #tpu.memory_space<vmem>>
    %dma_start3A_17 = arith.constant 0 : i32
    %dma_start3A_18 = arith.constant 0 : i32
    %dma_start3A_19 = tpu.memref_slice %arg2[%dma_start3A_17, %dma_start3A_18] : memref<4096x128xf32, #tpu.memory_space<hbm>> -> memref<4096x128xf32, #tpu.memory_space<hbm>>
    tpu.enqueue_indirect_dma source(%dma_start3A_19 : memref<4096x128xf32, #tpu.memory_space<hbm>>) target(%dma_start3A_13 : memref<128x128xf32, #tpu.memory_space<vmem>>) offsets(%dma_start3A_16 : memref<128xi32, #tpu.memory_space<vmem>>) semaphore(%arg7 : memref<!tpu.dma_semaphore, #tpu.memory_space<semaphore_mem>>)
    %dma_start3A_20 = arith.constant 1 : i32
    %dma_start3A_21 = arith.constant 0 : i32
    %dma_start3A_22 = arith.constant 1 : i32
    %dma_start3A_23 = arith.constant 0 : i32
    %dma_start3A_24 = arith.constant 0 : i32
    %dma_start3A_25 = tpu.memref_slice %arg6[%dma_start3A_22, %dma_start3A_23, %dma_start3A_24] : memref<3x128x128xf32, #tpu.memory_space<vmem>> -> memref<1x128x128xf32, #tpu.memory_space<vmem>>
    %dma_start3A_26 = tpu.memref_squeeze %dma_start3A_25 : memref<1x128x128xf32, #tpu.memory_space<vmem>> -> memref<128x128xf32, #tpu.memory_space<vmem>>
    %dma_start3A_27 = arith.constant 0 : i32
    %dma_start3A_28 = tpu.memref_slice %arg5[%dma_start3A_20, %dma_start3A_21, %dma_start3A_27] : memref<3x1x128xi32, #tpu.memory_space<vmem>> -> memref<1x1x128xi32, #tpu.memory_space<vmem>>
    %dma_start3A_29 = tpu.memref_squeeze %dma_start3A_28 : memref<1x1x128xi32, #tpu.memory_space<vmem>> -> memref<128xi32, #tpu.memory_space<vmem>>
    %dma_start3A_30 = arith.constant 0 : i32
    %dma_start3A_31 = arith.constant 0 : i32
    %dma_start3A_32 = tpu.memref_slice %arg2[%dma_start3A_30, %dma_start3A_31] : memref<4096x128xf32, #tpu.memory_space<hbm>> -> memref<4096x128xf32, #tpu.memory_space<hbm>>
    tpu.enqueue_indirect_dma source(%dma_start3A_32 : memref<4096x128xf32, #tpu.memory_space<hbm>>) target(%dma_start3A_26 : memref<128x128xf32, #tpu.memory_space<vmem>>) offsets(%dma_start3A_29 : memref<128xi32, #tpu.memory_space<vmem>>) semaphore(%arg7 : memref<!tpu.dma_semaphore, #tpu.memory_space<semaphore_mem>>)
    %dma_start3A_33 = arith.constant 2 : i32
    %dma_start3A_34 = arith.constant 0 : i32
    %dma_start3A_35 = arith.constant 2 : i32
    %dma_start3A_36 = arith.constant 0 : i32
    %dma_start3A_37 = arith.constant 0 : i32
    %dma_start3A_38 = tpu.memref_slice %arg6[%dma_start3A_35, %dma_start3A_36, %dma_start3A_37] : memref<3x128x128xf32, #tpu.memory_space<vmem>> -> memref<1x128x128xf32, #tpu.memory_space<vmem>>
    %dma_start3A_39 = tpu.memref_squeeze %dma_start3A_38 : memref<1x128x128xf32, #tpu.memory_space<vmem>> -> memref<128x128xf32, #tpu.memory_space<vmem>>
    %dma_start3A_40 = arith.constant 0 : i32
    %dma_start3A_41 = tpu.memref_slice %arg5[%dma_start3A_33, %dma_start3A_34, %dma_start3A_40] : memref<3x1x128xi32, #tpu.memory_space<vmem>> -> memref<1x1x128xi32, #tpu.memory_space<vmem>>
    %dma_start3A_42 = tpu.memref_squeeze %dma_start3A_41 : memref<1x1x128xi32, #tpu.memory_space<vmem>> -> memref<128xi32, #tpu.memory_space<vmem>>
    %dma_start3A_43 = arith.constant 0 : i32
    %dma_start3A_44 = arith.constant 0 : i32
    %dma_start3A_45 = tpu.memref_slice %arg2[%dma_start3A_43, %dma_start3A_44] : memref<4096x128xf32, #tpu.memory_space<hbm>> -> memref<4096x128xf32, #tpu.memory_space<hbm>>
    tpu.enqueue_indirect_dma source(%dma_start3A_45 : memref<4096x128xf32, #tpu.memory_space<hbm>>) target(%dma_start3A_39 : memref<128x128xf32, #tpu.memory_space<vmem>>) offsets(%dma_start3A_42 : memref<128xi32, #tpu.memory_space<vmem>>) semaphore(%arg7 : memref<!tpu.dma_semaphore, #tpu.memory_space<semaphore_mem>>)
    %dma_wait3A = arith.constant 0 : i32
    %dma_wait3A_46 = arith.constant 0 : i32
    %dma_wait3A_47 = arith.constant 0 : i32
    %dma_wait3A_48 = arith.constant 0 : i32
    %dma_wait3A_49 = arith.constant 0 : i32
    %dma_wait3A_50 = tpu.memref_slice %arg6[%dma_wait3A_47, %dma_wait3A_48, %dma_wait3A_49] : memref<3x128x128xf32, #tpu.memory_space<vmem>> -> memref<1x128x128xf32, #tpu.memory_space<vmem>>
    %dma_wait3A_51 = tpu.memref_squeeze %dma_wait3A_50 : memref<1x128x128xf32, #tpu.memory_space<vmem>> -> memref<128x128xf32, #tpu.memory_space<vmem>>
    %dma_wait3A_52 = arith.constant 0 : i32
    %dma_wait3A_53 = tpu.memref_slice %arg5[%dma_wait3A, %dma_wait3A_46, %dma_wait3A_52] : memref<3x1x128xi32, #tpu.memory_space<vmem>> -> memref<1x1x128xi32, #tpu.memory_space<vmem>>
    %dma_wait3A_54 = tpu.memref_squeeze %dma_wait3A_53 : memref<1x1x128xi32, #tpu.memory_space<vmem>> -> memref<128xi32, #tpu.memory_space<vmem>>
    %dma_wait3A_55 = arith.constant 0 : i32
    %dma_wait3A_56 = arith.constant 0 : i32
    %dma_wait3A_57 = tpu.memref_slice %arg2[%dma_wait3A_55, %dma_wait3A_56] : memref<4096x128xf32, #tpu.memory_space<hbm>> -> memref<4096x128xf32, #tpu.memory_space<hbm>>
    tpu.wait_indirect_dma semaphore(%arg7 : memref<!tpu.dma_semaphore, #tpu.memory_space<semaphore_mem>>) src(%dma_wait3A_57 : memref<4096x128xf32, #tpu.memory_space<hbm>>) dst(%dma_wait3A_51 : memref<128x128xf32, #tpu.memory_space<vmem>>)
    %dma_start3A_58 = arith.constant 0 : i32
    %dma_start3A_59 = arith.constant 0 : i32
    %dma_start3A_60 = arith.constant 0 : i32
    %dma_start3A_61 = arith.constant 0 : i32
    %dma_start3A_62 = tpu.memref_slice %arg6[%dma_start3A_58, %dma_start3A_60, %dma_start3A_61] : memref<3x128x128xf32, #tpu.memory_space<vmem>> -> memref<1x128x128xf32, #tpu.memory_space<vmem>>
    %dma_start3A_63 = tpu.memref_squeeze %dma_start3A_62 : memref<1x128x128xf32, #tpu.memory_space<vmem>> -> memref<128x128xf32, #tpu.memory_space<vmem>>
    %dma_start3A_64 = arith.constant 0 : i32
    %dma_start3A_65 = tpu.memref_slice %arg4[%dma_start3A_59, %mul3A_2, %dma_start3A_64] : memref<3x4096x128xf32, #tpu.memory_space<hbm>> -> memref<1x128x128xf32, #tpu.memory_space<hbm>>
    %dma_start3A_66 = tpu.memref_squeeze %dma_start3A_65 : memref<1x128x128xf32, #tpu.memory_space<hbm>> -> memref<128x128xf32, #tpu.memory_space<hbm>>
    %dma_start3A_67 = arith.constant 0 : i32
    %dma_start3A_68 = tpu.memref_slice %arg4[%dma_start3A_59, %mul3A_2, %dma_start3A_67] : memref<3x4096x128xf32, #tpu.memory_space<hbm>> -> memref<1x128x128xf32, #tpu.memory_space<hbm>>
    %dma_start3A_69 = tpu.memref_squeeze %dma_start3A_68 : memref<1x128x128xf32, #tpu.memory_space<hbm>> -> memref<128x128xf32, #tpu.memory_space<hbm>>
    %dma_start3A_70 = arith.constant 0 : i32
    %dma_start3A_71 = arith.constant 0 : i32
    %dma_start3A_72 = tpu.memref_slice %arg6[%dma_start3A_58, %dma_start3A_70, %dma_start3A_71] : memref<3x128x128xf32, #tpu.memory_space<vmem>> -> memref<1x128x128xf32, #tpu.memory_space<vmem>>
    %dma_start3A_73 = tpu.memref_squeeze %dma_start3A_72 : memref<1x128x128xf32, #tpu.memory_space<vmem>> -> memref<128x128xf32, #tpu.memory_space<vmem>>
    tpu.enqueue_dma source(%dma_start3A_73 : memref<128x128xf32, #tpu.memory_space<vmem>>) target(%dma_start3A_69 : memref<128x128xf32, #tpu.memory_space<hbm>>) target_semaphore(%arg8 : memref<!tpu.dma_semaphore, #tpu.memory_space<semaphore_mem>>)
    %dma_wait3A_74 = arith.constant 1 : i32
    %dma_wait3A_75 = arith.constant 0 : i32
    %dma_wait3A_76 = arith.constant 1 : i32
    %dma_wait3A_77 = arith.constant 0 : i32
    %dma_wait3A_78 = arith.constant 0 : i32
    %dma_wait3A_79 = tpu.memref_slice %arg6[%dma_wait3A_76, %dma_wait3A_77, %dma_wait3A_78] : memref<3x128x128xf32, #tpu.memory_space<vmem>> -> memref<1x128x128xf32, #tpu.memory_space<vmem>>
    %dma_wait3A_80 = tpu.memref_squeeze %dma_wait3A_79 : memref<1x128x128xf32, #tpu.memory_space<vmem>> -> memref<128x128xf32, #tpu.memory_space<vmem>>
    %dma_wait3A_81 = arith.constant 0 : i32
    %dma_wait3A_82 = tpu.memref_slice %arg5[%dma_wait3A_74, %dma_wait3A_75, %dma_wait3A_81] : memref<3x1x128xi32, #tpu.memory_space<vmem>> -> memref<1x1x128xi32, #tpu.memory_space<vmem>>
    %dma_wait3A_83 = tpu.memref_squeeze %dma_wait3A_82 : memref<1x1x128xi32, #tpu.memory_space<vmem>> -> memref<128xi32, #tpu.memory_space<vmem>>
    %dma_wait3A_84 = arith.constant 0 : i32
    %dma_wait3A_85 = arith.constant 0 : i32
    %dma_wait3A_86 = tpu.memref_slice %arg2[%dma_wait3A_84, %dma_wait3A_85] : memref<4096x128xf32, #tpu.memory_space<hbm>> -> memref<4096x128xf32, #tpu.memory_space<hbm>>
    tpu.wait_indirect_dma semaphore(%arg7 : memref<!tpu.dma_semaphore, #tpu.memory_space<semaphore_mem>>) src(%dma_wait3A_86 : memref<4096x128xf32, #tpu.memory_space<hbm>>) dst(%dma_wait3A_80 : memref<128x128xf32, #tpu.memory_space<vmem>>)
    %dma_start3A_87 = arith.constant 1 : i32
    %dma_start3A_88 = arith.constant 1 : i32
    %dma_start3A_89 = arith.constant 0 : i32
    %dma_start3A_90 = arith.constant 0 : i32
    %dma_start3A_91 = tpu.memref_slice %arg6[%dma_start3A_87, %dma_start3A_89, %dma_start3A_90] : memref<3x128x128xf32, #tpu.memory_space<vmem>> -> memref<1x128x128xf32, #tpu.memory_space<vmem>>
    %dma_start3A_92 = tpu.memref_squeeze %dma_start3A_91 : memref<1x128x128xf32, #tpu.memory_space<vmem>> -> memref<128x128xf32, #tpu.memory_space<vmem>>
    %dma_start3A_93 = arith.constant 0 : i32
    %dma_start3A_94 = tpu.memref_slice %arg4[%dma_start3A_88, %mul3A_2, %dma_start3A_93] : memref<3x4096x128xf32, #tpu.memory_space<hbm>> -> memref<1x128x128xf32, #tpu.memory_space<hbm>>
    %dma_start3A_95 = tpu.memref_squeeze %dma_start3A_94 : memref<1x128x128xf32, #tpu.memory_space<hbm>> -> memref<128x128xf32, #tpu.memory_space<hbm>>
    %dma_start3A_96 = arith.constant 0 : i32
    %dma_start3A_97 = tpu.memref_slice %arg4[%dma_start3A_88, %mul3A_2, %dma_start3A_96] : memref<3x4096x128xf32, #tpu.memory_space<hbm>> -> memref<1x128x128xf32, #tpu.memory_space<hbm>>
    %dma_start3A_98 = tpu.memref_squeeze %dma_start3A_97 : memref<1x128x128xf32, #tpu.memory_space<hbm>> -> memref<128x128xf32, #tpu.memory_space<hbm>>
    %dma_start3A_99 = arith.constant 0 : i32
    %dma_start3A_100 = arith.constant 0 : i32
    %dma_start3A_101 = tpu.memref_slice %arg6[%dma_start3A_87, %dma_start3A_99, %dma_start3A_100] : memref<3x128x128xf32, #tpu.memory_space<vmem>> -> memref<1x128x128xf32, #tpu.memory_space<vmem>>
    %dma_start3A_102 = tpu.memref_squeeze %dma_start3A_101 : memref<1x128x128xf32, #tpu.memory_space<vmem>> -> memref<128x128xf32, #tpu.memory_space<vmem>>
    tpu.enqueue_dma source(%dma_start3A_102 : memref<128x128xf32, #tpu.memory_space<vmem>>) target(%dma_start3A_98 : memref<128x128xf32, #tpu.memory_space<hbm>>) target_semaphore(%arg8 : memref<!tpu.dma_semaphore, #tpu.memory_space<semaphore_mem>>)
    %dma_wait3A_103 = arith.constant 2 : i32
    %dma_wait3A_104 = arith.constant 0 : i32
    %dma_wait3A_105 = arith.constant 2 : i32
    %dma_wait3A_106 = arith.constant 0 : i32
    %dma_wait3A_107 = arith.constant 0 : i32
    %dma_wait3A_108 = tpu.memref_slice %arg6[%dma_wait3A_105, %dma_wait3A_106, %dma_wait3A_107] : memref<3x128x128xf32, #tpu.memory_space<vmem>> -> memref<1x128x128xf32, #tpu.memory_space<vmem>>
    %dma_wait3A_109 = tpu.memref_squeeze %dma_wait3A_108 : memref<1x128x128xf32, #tpu.memory_space<vmem>> -> memref<128x128xf32, #tpu.memory_space<vmem>>
    %dma_wait3A_110 = arith.constant 0 : i32
    %dma_wait3A_111 = tpu.memref_slice %arg5[%dma_wait3A_103, %dma_wait3A_104, %dma_wait3A_110] : memref<3x1x128xi32, #tpu.memory_space<vmem>> -> memref<1x1x128xi32, #tpu.memory_space<vmem>>
    %dma_wait3A_112 = tpu.memref_squeeze %dma_wait3A_111 : memref<1x1x128xi32, #tpu.memory_space<vmem>> -> memref<128xi32, #tpu.memory_space<vmem>>
    %dma_wait3A_113 = arith.constant 0 : i32
    %dma_wait3A_114 = arith.constant 0 : i32
    %dma_wait3A_115 = tpu.memref_slice %arg2[%dma_wait3A_113, %dma_wait3A_114] : memref<4096x128xf32, #tpu.memory_space<hbm>> -> memref<4096x128xf32, #tpu.memory_space<hbm>>
    tpu.wait_indirect_dma semaphore(%arg7 : memref<!tpu.dma_semaphore, #tpu.memory_space<semaphore_mem>>) src(%dma_wait3A_115 : memref<4096x128xf32, #tpu.memory_space<hbm>>) dst(%dma_wait3A_109 : memref<128x128xf32, #tpu.memory_space<vmem>>)
    %dma_start3A_116 = arith.constant 2 : i32
    %dma_start3A_117 = arith.constant 2 : i32
    %dma_start3A_118 = arith.constant 0 : i32
    %dma_start3A_119 = arith.constant 0 : i32
    %dma_start3A_120 = tpu.memref_slice %arg6[%dma_start3A_116, %dma_start3A_118, %dma_start3A_119] : memref<3x128x128xf32, #tpu.memory_space<vmem>> -> memref<1x128x128xf32, #tpu.memory_space<vmem>>
    %dma_start3A_121 = tpu.memref_squeeze %dma_start3A_120 : memref<1x128x128xf32, #tpu.memory_space<vmem>> -> memref<128x128xf32, #tpu.memory_space<vmem>>
    %dma_start3A_122 = arith.constant 0 : i32
    %dma_start3A_123 = tpu.memref_slice %arg4[%dma_start3A_117, %mul3A_2, %dma_start3A_122] : memref<3x4096x128xf32, #tpu.memory_space<hbm>> -> memref<1x128x128xf32, #tpu.memory_space<hbm>>
    %dma_start3A_124 = tpu.memref_squeeze %dma_start3A_123 : memref<1x128x128xf32, #tpu.memory_space<hbm>> -> memref<128x128xf32, #tpu.memory_space<hbm>>
    %dma_start3A_125 = arith.constant 0 : i32
    %dma_start3A_126 = tpu.memref_slice %arg4[%dma_start3A_117, %mul3A_2, %dma_start3A_125] : memref<3x4096x128xf32, #tpu.memory_space<hbm>> -> memref<1x128x128xf32, #tpu.memory_space<hbm>>
    %dma_start3A_127 = tpu.memref_squeeze %dma_start3A_126 : memref<1x128x128xf32, #tpu.memory_space<hbm>> -> memref<128x128xf32, #tpu.memory_space<hbm>>
    %dma_start3A_128 = arith.constant 0 : i32
    %dma_start3A_129 = arith.constant 0 : i32
    %dma_start3A_130 = tpu.memref_slice %arg6[%dma_start3A_116, %dma_start3A_128, %dma_start3A_129] : memref<3x128x128xf32, #tpu.memory_space<vmem>> -> memref<1x128x128xf32, #tpu.memory_space<vmem>>
    %dma_start3A_131 = tpu.memref_squeeze %dma_start3A_130 : memref<1x128x128xf32, #tpu.memory_space<vmem>> -> memref<128x128xf32, #tpu.memory_space<vmem>>
    tpu.enqueue_dma source(%dma_start3A_131 : memref<128x128xf32, #tpu.memory_space<vmem>>) target(%dma_start3A_127 : memref<128x128xf32, #tpu.memory_space<hbm>>) target_semaphore(%arg8 : memref<!tpu.dma_semaphore, #tpu.memory_space<semaphore_mem>>)
    %dma_wait3A_132 = arith.constant 0 : i32
    %dma_wait3A_133 = arith.constant 0 : i32
    %dma_wait3A_134 = arith.constant 0 : i32
    %dma_wait3A_135 = arith.constant 0 : i32
    %dma_wait3A_136 = tpu.memref_slice %arg6[%dma_wait3A_132, %dma_wait3A_134, %dma_wait3A_135] : memref<3x128x128xf32, #tpu.memory_space<vmem>> -> memref<1x128x128xf32, #tpu.memory_space<vmem>>
    %dma_wait3A_137 = tpu.memref_squeeze %dma_wait3A_136 : memref<1x128x128xf32, #tpu.memory_space<vmem>> -> memref<128x128xf32, #tpu.memory_space<vmem>>
    %dma_wait3A_138 = arith.constant 0 : i32
    %dma_wait3A_139 = tpu.memref_slice %arg4[%dma_wait3A_133, %mul3A_2, %dma_wait3A_138] : memref<3x4096x128xf32, #tpu.memory_space<hbm>> -> memref<1x128x128xf32, #tpu.memory_space<hbm>>
    %dma_wait3A_140 = tpu.memref_squeeze %dma_wait3A_139 : memref<1x128x128xf32, #tpu.memory_space<hbm>> -> memref<128x128xf32, #tpu.memory_space<hbm>>
    %dma_wait3A_141 = arith.constant 0 : i32
    %dma_wait3A_142 = tpu.memref_slice %arg4[%dma_wait3A_133, %mul3A_2, %dma_wait3A_141] : memref<3x4096x128xf32, #tpu.memory_space<hbm>> -> memref<1x128x128xf32, #tpu.memory_space<hbm>>
    %dma_wait3A_143 = tpu.memref_squeeze %dma_wait3A_142 : memref<1x128x128xf32, #tpu.memory_space<hbm>> -> memref<128x128xf32, #tpu.memory_space<hbm>>
    %dma_wait3A_144 = arith.constant 0 : i32
    %dma_wait3A_145 = arith.constant 0 : i32
    %dma_wait3A_146 = tpu.memref_slice %arg6[%dma_wait3A_132, %dma_wait3A_144, %dma_wait3A_145] : memref<3x128x128xf32, #tpu.memory_space<vmem>> -> memref<1x128x128xf32, #tpu.memory_space<vmem>>
    %dma_wait3A_147 = tpu.memref_squeeze %dma_wait3A_146 : memref<1x128x128xf32, #tpu.memory_space<vmem>> -> memref<128x128xf32, #tpu.memory_space<vmem>>
    tpu.wait_dma2 semaphore(%arg8 : memref<!tpu.dma_semaphore, #tpu.memory_space<semaphore_mem>>) src(%dma_wait3A_147 : memref<128x128xf32, #tpu.memory_space<vmem>>) dst(%dma_wait3A_143 : memref<128x128xf32, #tpu.memory_space<hbm>>)
    %dma_wait3A_148 = arith.constant 1 : i32
    %dma_wait3A_149 = arith.constant 1 : i32
    %dma_wait3A_150 = arith.constant 0 : i32
    %dma_wait3A_151 = arith.constant 0 : i32
    %dma_wait3A_152 = tpu.memref_slice %arg6[%dma_wait3A_148, %dma_wait3A_150, %dma_wait3A_151] : memref<3x128x128xf32, #tpu.memory_space<vmem>> -> memref<1x128x128xf32, #tpu.memory_space<vmem>>
    %dma_wait3A_153 = tpu.memref_squeeze %dma_wait3A_152 : memref<1x128x128xf32, #tpu.memory_space<vmem>> -> memref<128x128xf32, #tpu.memory_space<vmem>>
    %dma_wait3A_154 = arith.constant 0 : i32
    %dma_wait3A_155 = tpu.memref_slice %arg4[%dma_wait3A_149, %mul3A_2, %dma_wait3A_154] : memref<3x4096x128xf32, #tpu.memory_space<hbm>> -> memref<1x128x128xf32, #tpu.memory_space<hbm>>
    %dma_wait3A_156 = tpu.memref_squeeze %dma_wait3A_155 : memref<1x128x128xf32, #tpu.memory_space<hbm>> -> memref<128x128xf32, #tpu.memory_space<hbm>>
    %dma_wait3A_157 = arith.constant 0 : i32
    %dma_wait3A_158 = tpu.memref_slice %arg4[%dma_wait3A_149, %mul3A_2, %dma_wait3A_157] : memref<3x4096x128xf32, #tpu.memory_space<hbm>> -> memref<1x128x128xf32, #tpu.memory_space<hbm>>
    %dma_wait3A_159 = tpu.memref_squeeze %dma_wait3A_158 : memref<1x128x128xf32, #tpu.memory_space<hbm>> -> memref<128x128xf32, #tpu.memory_space<hbm>>
    %dma_wait3A_160 = arith.constant 0 : i32
    %dma_wait3A_161 = arith.constant 0 : i32
    %dma_wait3A_162 = tpu.memref_slice %arg6[%dma_wait3A_148, %dma_wait3A_160, %dma_wait3A_161] : memref<3x128x128xf32, #tpu.memory_space<vmem>> -> memref<1x128x128xf32, #tpu.memory_space<vmem>>
    %dma_wait3A_163 = tpu.memref_squeeze %dma_wait3A_162 : memref<1x128x128xf32, #tpu.memory_space<vmem>> -> memref<128x128xf32, #tpu.memory_space<vmem>>
    tpu.wait_dma2 semaphore(%arg8 : memref<!tpu.dma_semaphore, #tpu.memory_space<semaphore_mem>>) src(%dma_wait3A_163 : memref<128x128xf32, #tpu.memory_space<vmem>>) dst(%dma_wait3A_159 : memref<128x128xf32, #tpu.memory_space<hbm>>)
    %dma_wait3A_164 = arith.constant 2 : i32
    %dma_wait3A_165 = arith.constant 2 : i32
    %dma_wait3A_166 = arith.constant 0 : i32
    %dma_wait3A_167 = arith.constant 0 : i32
    %dma_wait3A_168 = tpu.memref_slice %arg6[%dma_wait3A_164, %dma_wait3A_166, %dma_wait3A_167] : memref<3x128x128xf32, #tpu.memory_space<vmem>> -> memref<1x128x128xf32, #tpu.memory_space<vmem>>
    %dma_wait3A_169 = tpu.memref_squeeze %dma_wait3A_168 : memref<1x128x128xf32, #tpu.memory_space<vmem>> -> memref<128x128xf32, #tpu.memory_space<vmem>>
    %dma_wait3A_170 = arith.constant 0 : i32
    %dma_wait3A_171 = tpu.memref_slice %arg4[%dma_wait3A_165, %mul3A_2, %dma_wait3A_170] : memref<3x4096x128xf32, #tpu.memory_space<hbm>> -> memref<1x128x128xf32, #tpu.memory_space<hbm>>
    %dma_wait3A_172 = tpu.memref_squeeze %dma_wait3A_171 : memref<1x128x128xf32, #tpu.memory_space<hbm>> -> memref<128x128xf32, #tpu.memory_space<hbm>>
    %dma_wait3A_173 = arith.constant 0 : i32
    %dma_wait3A_174 = tpu.memref_slice %arg4[%dma_wait3A_165, %mul3A_2, %dma_wait3A_173] : memref<3x4096x128xf32, #tpu.memory_space<hbm>> -> memref<1x128x128xf32, #tpu.memory_space<hbm>>
    %dma_wait3A_175 = tpu.memref_squeeze %dma_wait3A_174 : memref<1x128x128xf32, #tpu.memory_space<hbm>> -> memref<128x128xf32, #tpu.memory_space<hbm>>
    %dma_wait3A_176 = arith.constant 0 : i32
    %dma_wait3A_177 = arith.constant 0 : i32
    %dma_wait3A_178 = tpu.memref_slice %arg6[%dma_wait3A_164, %dma_wait3A_176, %dma_wait3A_177] : memref<3x128x128xf32, #tpu.memory_space<vmem>> -> memref<1x128x128xf32, #tpu.memory_space<vmem>>
    %dma_wait3A_179 = tpu.memref_squeeze %dma_wait3A_178 : memref<1x128x128xf32, #tpu.memory_space<vmem>> -> memref<128x128xf32, #tpu.memory_space<vmem>>
    tpu.wait_dma2 semaphore(%arg8 : memref<!tpu.dma_semaphore, #tpu.memory_space<semaphore_mem>>) src(%dma_wait3A_179 : memref<128x128xf32, #tpu.memory_space<vmem>>) dst(%dma_wait3A_175 : memref<128x128xf32, #tpu.memory_space<hbm>>)
    return
  }
}

#map = affine_map<(d0, d1) -> (0, 0)>
#map1 = affine_map<(d0, d1) -> (0, 0, 0)>
module attributes {stable_mosaic.version = 14 : i64} {
  func.func @gather_k(%arg0: i32, %arg1: i32, %arg2: memref<4096x128xf32, #tpu.memory_space<hbm>>, %arg3: memref<3x32x128xi32, #tpu.memory_space<hbm>>, %arg4: memref<3x4096x128xf32, #tpu.memory_space<hbm>>, %arg5: memref<3x1x128xi32, #tpu.memory_space<vmem>>, %arg6: memref<3x128x128xf32, #tpu.memory_space<vmem>>, %arg7: memref<!tpu.dma_semaphore, #tpu.memory_space<semaphore_mem>>, %arg8: memref<!tpu.dma_semaphore, #tpu.memory_space<semaphore_mem>>) attributes {dimension_semantics = [#tpu.dimension_semantics<core_parallel>, #tpu.dimension_semantics<subcore_parallel>], iteration_bounds = array<i64: 2, 16>, scalar_prefetch = 0 : i64, scratch_operands = 4 : i64, tpu.core_type = #tpu.core_type<sc_vector_subcore>, window_params = [{transform_indices = #map}, {transform_indices = #map1}, {transform_indices = #map1}]} {
    %mul3A = arith.constant 2 : i32
    %mul3A_0 = arith.muli %arg1, %mul3A : i32
    %add3A = arith.addi %mul3A_0, %arg0 : i32
    %mul3A_1 = arith.constant 128 : i32
    %mul3A_2 = arith.muli %add3A, %mul3A_1 : i32
    %run_scoped3A = arith.constant 0 : i32
    %run_scoped3A_3 = arith.constant 0 : i32
    "tpu.region"() ({
      %run_scoped3A_180 = tpu.sem_alloc : memref<!tpu.dma_semaphore, #tpu.memory_space<semaphore_mem>>
      %dma_start3A_181 = arith.constant 0 : i32
      %dma_start3A_182 = arith.constant 0 : i32
      %dma_start3A_183 = tpu.memref_slice %arg5[%run_scoped3A_3, %dma_start3A_181, %dma_start3A_182] : memref<3x1x128xi32, #tpu.memory_space<vmem>> -> memref<1x1x128xi32, #tpu.memory_space<vmem>>
      %dma_start3A_184 = tpu.memref_squeeze %dma_start3A_183 : memref<1x1x128xi32, #tpu.memory_space<vmem>> -> memref<1x128xi32, #tpu.memory_space<vmem>>
      %dma_start3A_185 = arith.constant 0 : i32
      %dma_start3A_186 = tpu.memref_slice %arg3[%run_scoped3A, %add3A, %dma_start3A_185] : memref<3x32x128xi32, #tpu.memory_space<hbm>> -> memref<1x1x128xi32, #tpu.memory_space<hbm>>
      %dma_start3A_187 = tpu.memref_squeeze %dma_start3A_186 : memref<1x1x128xi32, #tpu.memory_space<hbm>> -> memref<1x128xi32, #tpu.memory_space<hbm>>
      %dma_start3A_188 = arith.constant 0 : i32
      %dma_start3A_189 = arith.constant 0 : i32
      %dma_start3A_190 = tpu.memref_slice %arg5[%run_scoped3A_3, %dma_start3A_188, %dma_start3A_189] : memref<3x1x128xi32, #tpu.memory_space<vmem>> -> memref<1x1x128xi32, #tpu.memory_space<vmem>>
      %dma_start3A_191 = tpu.memref_squeeze %dma_start3A_190 : memref<1x1x128xi32, #tpu.memory_space<vmem>> -> memref<1x128xi32, #tpu.memory_space<vmem>>
      %dma_start3A_192 = arith.constant 0 : i32
      %dma_start3A_193 = tpu.memref_slice %arg3[%run_scoped3A, %add3A, %dma_start3A_192] : memref<3x32x128xi32, #tpu.memory_space<hbm>> -> memref<1x1x128xi32, #tpu.memory_space<hbm>>
      %dma_start3A_194 = tpu.memref_squeeze %dma_start3A_193 : memref<1x1x128xi32, #tpu.memory_space<hbm>> -> memref<1x128xi32, #tpu.memory_space<hbm>>
      tpu.enqueue_dma source(%dma_start3A_194 : memref<1x128xi32, #tpu.memory_space<hbm>>) target(%dma_start3A_191 : memref<1x128xi32, #tpu.memory_space<vmem>>) target_semaphore(%run_scoped3A_180 : memref<!tpu.dma_semaphore, #tpu.memory_space<semaphore_mem>>)
      %dma_wait3A_195 = arith.constant 0 : i32
      %dma_wait3A_196 = arith.constant 0 : i32
      %dma_wait3A_197 = tpu.memref_slice %arg5[%run_scoped3A_3, %dma_wait3A_195, %dma_wait3A_196] : memref<3x1x128xi32, #tpu.memory_space<vmem>> -> memref<1x1x128xi32, #tpu.memory_space<vmem>>
      %dma_wait3A_198 = tpu.memref_squeeze %dma_wait3A_197 : memref<1x1x128xi32, #tpu.memory_space<vmem>> -> memref<1x128xi32, #tpu.memory_space<vmem>>
      %dma_wait3A_199 = arith.constant 0 : i32
      %dma_wait3A_200 = tpu.memref_slice %arg3[%run_scoped3A, %add3A, %dma_wait3A_199] : memref<3x32x128xi32, #tpu.memory_space<hbm>> -> memref<1x1x128xi32, #tpu.memory_space<hbm>>
      %dma_wait3A_201 = tpu.memref_squeeze %dma_wait3A_200 : memref<1x1x128xi32, #tpu.memory_space<hbm>> -> memref<1x128xi32, #tpu.memory_space<hbm>>
      %dma_wait3A_202 = arith.constant 0 : i32
      %dma_wait3A_203 = arith.constant 0 : i32
      %dma_wait3A_204 = tpu.memref_slice %arg5[%run_scoped3A_3, %dma_wait3A_202, %dma_wait3A_203] : memref<3x1x128xi32, #tpu.memory_space<vmem>> -> memref<1x1x128xi32, #tpu.memory_space<vmem>>
      %dma_wait3A_205 = tpu.memref_squeeze %dma_wait3A_204 : memref<1x1x128xi32, #tpu.memory_space<vmem>> -> memref<1x128xi32, #tpu.memory_space<vmem>>
      %dma_wait3A_206 = arith.constant 0 : i32
      %dma_wait3A_207 = tpu.memref_slice %arg3[%run_scoped3A, %add3A, %dma_wait3A_206] : memref<3x32x128xi32, #tpu.memory_space<hbm>> -> memref<1x1x128xi32, #tpu.memory_space<hbm>>
      %dma_wait3A_208 = tpu.memref_squeeze %dma_wait3A_207 : memref<1x1x128xi32, #tpu.memory_space<hbm>> -> memref<1x128xi32, #tpu.memory_space<hbm>>
      tpu.wait_dma2 semaphore(%run_scoped3A_180 : memref<!tpu.dma_semaphore, #tpu.memory_space<semaphore_mem>>) src(%dma_wait3A_208 : memref<1x128xi32, #tpu.memory_space<hbm>>) dst(%dma_wait3A_205 : memref<1x128xi32, #tpu.memory_space<vmem>>)
      tpu.yield
    }) : () -> ()
    %run_scoped3A_4 = arith.constant 1 : i32
    %run_scoped3A_5 = arith.constant 1 : i32
    "tpu.region"() ({
      %run_scoped3A_180 = tpu.sem_alloc : memref<!tpu.dma_semaphore, #tpu.memory_space<semaphore_mem>>
      %dma_start3A_181 = arith.constant 0 : i32
      %dma_start3A_182 = arith.constant 0 : i32
      %dma_start3A_183 = tpu.memref_slice %arg5[%run_scoped3A_5, %dma_start3A_181, %dma_start3A_182] : memref<3x1x128xi32, #tpu.memory_space<vmem>> -> memref<1x1x128xi32, #tpu.memory_space<vmem>>
      %dma_start3A_184 = tpu.memref_squeeze %dma_start3A_183 : memref<1x1x128xi32, #tpu.memory_space<vmem>> -> memref<1x128xi32, #tpu.memory_space<vmem>>
      %dma_start3A_185 = arith.constant 0 : i32
      %dma_start3A_186 = tpu.memref_slice %arg3[%run_scoped3A_4, %add3A, %dma_start3A_185] : memref<3x32x128xi32, #tpu.memory_space<hbm>> -> memref<1x1x128xi32, #tpu.memory_space<hbm>>
      %dma_start3A_187 = tpu.memref_squeeze %dma_start3A_186 : memref<1x1x128xi32, #tpu.memory_space<hbm>> -> memref<1x128xi32, #tpu.memory_space<hbm>>
      %dma_start3A_188 = arith.constant 0 : i32
      %dma_start3A_189 = arith.constant 0 : i32
      %dma_start3A_190 = tpu.memref_slice %arg5[%run_scoped3A_5, %dma_start3A_188, %dma_start3A_189] : memref<3x1x128xi32, #tpu.memory_space<vmem>> -> memref<1x1x128xi32, #tpu.memory_space<vmem>>
      %dma_start3A_191 = tpu.memref_squeeze %dma_start3A_190 : memref<1x1x128xi32, #tpu.memory_space<vmem>> -> memref<1x128xi32, #tpu.memory_space<vmem>>
      %dma_start3A_192 = arith.constant 0 : i32
      %dma_start3A_193 = tpu.memref_slice %arg3[%run_scoped3A_4, %add3A, %dma_start3A_192] : memref<3x32x128xi32, #tpu.memory_space<hbm>> -> memref<1x1x128xi32, #tpu.memory_space<hbm>>
      %dma_start3A_194 = tpu.memref_squeeze %dma_start3A_193 : memref<1x1x128xi32, #tpu.memory_space<hbm>> -> memref<1x128xi32, #tpu.memory_space<hbm>>
      tpu.enqueue_dma source(%dma_start3A_194 : memref<1x128xi32, #tpu.memory_space<hbm>>) target(%dma_start3A_191 : memref<1x128xi32, #tpu.memory_space<vmem>>) target_semaphore(%run_scoped3A_180 : memref<!tpu.dma_semaphore, #tpu.memory_space<semaphore_mem>>)
      %dma_wait3A_195 = arith.constant 0 : i32
      %dma_wait3A_196 = arith.constant 0 : i32
      %dma_wait3A_197 = tpu.memref_slice %arg5[%run_scoped3A_5, %dma_wait3A_195, %dma_wait3A_196] : memref<3x1x128xi32, #tpu.memory_space<vmem>> -> memref<1x1x128xi32, #tpu.memory_space<vmem>>
      %dma_wait3A_198 = tpu.memref_squeeze %dma_wait3A_197 : memref<1x1x128xi32, #tpu.memory_space<vmem>> -> memref<1x128xi32, #tpu.memory_space<vmem>>
      %dma_wait3A_199 = arith.constant 0 : i32
      %dma_wait3A_200 = tpu.memref_slice %arg3[%run_scoped3A_4, %add3A, %dma_wait3A_199] : memref<3x32x128xi32, #tpu.memory_space<hbm>> -> memref<1x1x128xi32, #tpu.memory_space<hbm>>
      %dma_wait3A_201 = tpu.memref_squeeze %dma_wait3A_200 : memref<1x1x128xi32, #tpu.memory_space<hbm>> -> memref<1x128xi32, #tpu.memory_space<hbm>>
      %dma_wait3A_202 = arith.constant 0 : i32
      %dma_wait3A_203 = arith.constant 0 : i32
      %dma_wait3A_204 = tpu.memref_slice %arg5[%run_scoped3A_5, %dma_wait3A_202, %dma_wait3A_203] : memref<3x1x128xi32, #tpu.memory_space<vmem>> -> memref<1x1x128xi32, #tpu.memory_space<vmem>>
      %dma_wait3A_205 = tpu.memref_squeeze %dma_wait3A_204 : memref<1x1x128xi32, #tpu.memory_space<vmem>> -> memref<1x128xi32, #tpu.memory_space<vmem>>
      %dma_wait3A_206 = arith.constant 0 : i32
      %dma_wait3A_207 = tpu.memref_slice %arg3[%run_scoped3A_4, %add3A, %dma_wait3A_206] : memref<3x32x128xi32, #tpu.memory_space<hbm>> -> memref<1x1x128xi32, #tpu.memory_space<hbm>>
      %dma_wait3A_208 = tpu.memref_squeeze %dma_wait3A_207 : memref<1x1x128xi32, #tpu.memory_space<hbm>> -> memref<1x128xi32, #tpu.memory_space<hbm>>
      tpu.wait_dma2 semaphore(%run_scoped3A_180 : memref<!tpu.dma_semaphore, #tpu.memory_space<semaphore_mem>>) src(%dma_wait3A_208 : memref<1x128xi32, #tpu.memory_space<hbm>>) dst(%dma_wait3A_205 : memref<1x128xi32, #tpu.memory_space<vmem>>)
      tpu.yield
    }) : () -> ()
    %run_scoped3A_6 = arith.constant 2 : i32
    %run_scoped3A_7 = arith.constant 2 : i32
    "tpu.region"() ({
      %run_scoped3A_180 = tpu.sem_alloc : memref<!tpu.dma_semaphore, #tpu.memory_space<semaphore_mem>>
      %dma_start3A_181 = arith.constant 0 : i32
      %dma_start3A_182 = arith.constant 0 : i32
      %dma_start3A_183 = tpu.memref_slice %arg5[%run_scoped3A_7, %dma_start3A_181, %dma_start3A_182] : memref<3x1x128xi32, #tpu.memory_space<vmem>> -> memref<1x1x128xi32, #tpu.memory_space<vmem>>
      %dma_start3A_184 = tpu.memref_squeeze %dma_start3A_183 : memref<1x1x128xi32, #tpu.memory_space<vmem>> -> memref<1x128xi32, #tpu.memory_space<vmem>>
      %dma_start3A_185 = arith.constant 0 : i32
      %dma_start3A_186 = tpu.memref_slice %arg3[%run_scoped3A_6, %add3A, %dma_start3A_185] : memref<3x32x128xi32, #tpu.memory_space<hbm>> -> memref<1x1x128xi32, #tpu.memory_space<hbm>>
      %dma_start3A_187 = tpu.memref_squeeze %dma_start3A_186 : memref<1x1x128xi32, #tpu.memory_space<hbm>> -> memref<1x128xi32, #tpu.memory_space<hbm>>
      %dma_start3A_188 = arith.constant 0 : i32
      %dma_start3A_189 = arith.constant 0 : i32
      %dma_start3A_190 = tpu.memref_slice %arg5[%run_scoped3A_7, %dma_start3A_188, %dma_start3A_189] : memref<3x1x128xi32, #tpu.memory_space<vmem>> -> memref<1x1x128xi32, #tpu.memory_space<vmem>>
      %dma_start3A_191 = tpu.memref_squeeze %dma_start3A_190 : memref<1x1x128xi32, #tpu.memory_space<vmem>> -> memref<1x128xi32, #tpu.memory_space<vmem>>
      %dma_start3A_192 = arith.constant 0 : i32
      %dma_start3A_193 = tpu.memref_slice %arg3[%run_scoped3A_6, %add3A, %dma_start3A_192] : memref<3x32x128xi32, #tpu.memory_space<hbm>> -> memref<1x1x128xi32, #tpu.memory_space<hbm>>
      %dma_start3A_194 = tpu.memref_squeeze %dma_start3A_193 : memref<1x1x128xi32, #tpu.memory_space<hbm>> -> memref<1x128xi32, #tpu.memory_space<hbm>>
      tpu.enqueue_dma source(%dma_start3A_194 : memref<1x128xi32, #tpu.memory_space<hbm>>) target(%dma_start3A_191 : memref<1x128xi32, #tpu.memory_space<vmem>>) target_semaphore(%run_scoped3A_180 : memref<!tpu.dma_semaphore, #tpu.memory_space<semaphore_mem>>)
      %dma_wait3A_195 = arith.constant 0 : i32
      %dma_wait3A_196 = arith.constant 0 : i32
      %dma_wait3A_197 = tpu.memref_slice %arg5[%run_scoped3A_7, %dma_wait3A_195, %dma_wait3A_196] : memref<3x1x128xi32, #tpu.memory_space<vmem>> -> memref<1x1x128xi32, #tpu.memory_space<vmem>>
      %dma_wait3A_198 = tpu.memref_squeeze %dma_wait3A_197 : memref<1x1x128xi32, #tpu.memory_space<vmem>> -> memref<1x128xi32, #tpu.memory_space<vmem>>
      %dma_wait3A_199 = arith.constant 0 : i32
      %dma_wait3A_200 = tpu.memref_slice %arg3[%run_scoped3A_6, %add3A, %dma_wait3A_199] : memref<3x32x128xi32, #tpu.memory_space<hbm>> -> memref<1x1x128xi32, #tpu.memory_space<hbm>>
      %dma_wait3A_201 = tpu.memref_squeeze %dma_wait3A_200 : memref<1x1x128xi32, #tpu.memory_space<hbm>> -> memref<1x128xi32, #tpu.memory_space<hbm>>
      %dma_wait3A_202 = arith.constant 0 : i32
      %dma_wait3A_203 = arith.constant 0 : i32
      %dma_wait3A_204 = tpu.memref_slice %arg5[%run_scoped3A_7, %dma_wait3A_202, %dma_wait3A_203] : memref<3x1x128xi32, #tpu.memory_space<vmem>> -> memref<1x1x128xi32, #tpu.memory_space<vmem>>
      %dma_wait3A_205 = tpu.memref_squeeze %dma_wait3A_204 : memref<1x1x128xi32, #tpu.memory_space<vmem>> -> memref<1x128xi32, #tpu.memory_space<vmem>>
      %dma_wait3A_206 = arith.constant 0 : i32
      %dma_wait3A_207 = tpu.memref_slice %arg3[%run_scoped3A_6, %add3A, %dma_wait3A_206] : memref<3x32x128xi32, #tpu.memory_space<hbm>> -> memref<1x1x128xi32, #tpu.memory_space<hbm>>
      %dma_wait3A_208 = tpu.memref_squeeze %dma_wait3A_207 : memref<1x1x128xi32, #tpu.memory_space<hbm>> -> memref<1x128xi32, #tpu.memory_space<hbm>>
      tpu.wait_dma2 semaphore(%run_scoped3A_180 : memref<!tpu.dma_semaphore, #tpu.memory_space<semaphore_mem>>) src(%dma_wait3A_208 : memref<1x128xi32, #tpu.memory_space<hbm>>) dst(%dma_wait3A_205 : memref<1x128xi32, #tpu.memory_space<vmem>>)
      tpu.yield
    }) : () -> ()
    %dma_start3A = arith.constant 0 : i32
    %dma_start3A_8 = arith.constant 0 : i32
    %dma_start3A_9 = arith.constant 0 : i32
    %dma_start3A_10 = arith.constant 0 : i32
    %dma_start3A_11 = arith.constant 0 : i32
    %dma_start3A_12 = tpu.memref_slice %arg6[%dma_start3A_9, %dma_start3A_10, %dma_start3A_11] : memref<3x128x128xf32, #tpu.memory_space<vmem>> -> memref<1x128x128xf32, #tpu.memory_space<vmem>>
    %dma_start3A_13 = tpu.memref_squeeze %dma_start3A_12 : memref<1x128x128xf32, #tpu.memory_space<vmem>> -> memref<128x128xf32, #tpu.memory_space<vmem>>
    %dma_start3A_14 = arith.constant 0 : i32
    %dma_start3A_15 = tpu.memref_slice %arg5[%dma_start3A, %dma_start3A_8, %dma_start3A_14] : memref<3x1x128xi32, #tpu.memory_space<vmem>> -> memref<1x1x128xi32, #tpu.memory_space<vmem>>
    %dma_start3A_16 = tpu.memref_squeeze %dma_start3A_15 : memref<1x1x128xi32, #tpu.memory_space<vmem>> -> memref<128xi32, #tpu.memory_space<vmem>>
    %dma_start3A_17 = arith.constant 0 : i32
    %dma_start3A_18 = arith.constant 0 : i32
    %dma_start3A_19 = tpu.memref_slice %arg2[%dma_start3A_17, %dma_start3A_18] : memref<4096x128xf32, #tpu.memory_space<hbm>> -> memref<4096x128xf32, #tpu.memory_space<hbm>>
    tpu.enqueue_indirect_dma source(%dma_start3A_19 : memref<4096x128xf32, #tpu.memory_space<hbm>>) target(%dma_start3A_13 : memref<128x128xf32, #tpu.memory_space<vmem>>) offsets(%dma_start3A_16 : memref<128xi32, #tpu.memory_space<vmem>>) semaphore(%arg7 : memref<!tpu.dma_semaphore, #tpu.memory_space<semaphore_mem>>)
    %dma_start3A_20 = arith.constant 1 : i32
    %dma_start3A_21 = arith.constant 0 : i32
    %dma_start3A_22 = arith.constant 1 : i32
    %dma_start3A_23 = arith.constant 0 : i32
    %dma_start3A_24 = arith.constant 0 : i32
    %dma_start3A_25 = tpu.memref_slice %arg6[%dma_start3A_22, %dma_start3A_23, %dma_start3A_24] : memref<3x128x128xf32, #tpu.memory_space<vmem>> -> memref<1x128x128xf32, #tpu.memory_space<vmem>>
    %dma_start3A_26 = tpu.memref_squeeze %dma_start3A_25 : memref<1x128x128xf32, #tpu.memory_space<vmem>> -> memref<128x128xf32, #tpu.memory_space<vmem>>
    %dma_start3A_27 = arith.constant 0 : i32
    %dma_start3A_28 = tpu.memref_slice %arg5[%dma_start3A_20, %dma_start3A_21, %dma_start3A_27] : memref<3x1x128xi32, #tpu.memory_space<vmem>> -> memref<1x1x128xi32, #tpu.memory_space<vmem>>
    %dma_start3A_29 = tpu.memref_squeeze %dma_start3A_28 : memref<1x1x128xi32, #tpu.memory_space<vmem>> -> memref<128xi32, #tpu.memory_space<vmem>>
    %dma_start3A_30 = arith.constant 0 : i32
    %dma_start3A_31 = arith.constant 0 : i32
    %dma_start3A_32 = tpu.memref_slice %arg2[%dma_start3A_30, %dma_start3A_31] : memref<4096x128xf32, #tpu.memory_space<hbm>> -> memref<4096x128xf32, #tpu.memory_space<hbm>>
    tpu.enqueue_indirect_dma source(%dma_start3A_32 : memref<4096x128xf32, #tpu.memory_space<hbm>>) target(%dma_start3A_26 : memref<128x128xf32, #tpu.memory_space<vmem>>) offsets(%dma_start3A_29 : memref<128xi32, #tpu.memory_space<vmem>>) semaphore(%arg7 : memref<!tpu.dma_semaphore, #tpu.memory_space<semaphore_mem>>)
    %dma_start3A_33 = arith.constant 2 : i32
    %dma_start3A_34 = arith.constant 0 : i32
    %dma_start3A_35 = arith.constant 2 : i32
    %dma_start3A_36 = arith.constant 0 : i32
    %dma_start3A_37 = arith.constant 0 : i32
    %dma_start3A_38 = tpu.memref_slice %arg6[%dma_start3A_35, %dma_start3A_36, %dma_start3A_37] : memref<3x128x128xf32, #tpu.memory_space<vmem>> -> memref<1x128x128xf32, #tpu.memory_space<vmem>>
    %dma_start3A_39 = tpu.memref_squeeze %dma_start3A_38 : memref<1x128x128xf32, #tpu.memory_space<vmem>> -> memref<128x128xf32, #tpu.memory_space<vmem>>
    %dma_start3A_40 = arith.constant 0 : i32
    %dma_start3A_41 = tpu.memref_slice %arg5[%dma_start3A_33, %dma_start3A_34, %dma_start3A_40] : memref<3x1x128xi32, #tpu.memory_space<vmem>> -> memref<1x1x128xi32, #tpu.memory_space<vmem>>
    %dma_start3A_42 = tpu.memref_squeeze %dma_start3A_41 : memref<1x1x128xi32, #tpu.memory_space<vmem>> -> memref<128xi32, #tpu.memory_space<vmem>>
    %dma_start3A_43 = arith.constant 0 : i32
    %dma_start3A_44 = arith.constant 0 : i32
    %dma_start3A_45 = tpu.memref_slice %arg2[%dma_start3A_43, %dma_start3A_44] : memref<4096x128xf32, #tpu.memory_space<hbm>> -> memref<4096x128xf32, #tpu.memory_space<hbm>>
    tpu.enqueue_indirect_dma source(%dma_start3A_45 : memref<4096x128xf32, #tpu.memory_space<hbm>>) target(%dma_start3A_39 : memref<128x128xf32, #tpu.memory_space<vmem>>) offsets(%dma_start3A_42 : memref<128xi32, #tpu.memory_space<vmem>>) semaphore(%arg7 : memref<!tpu.dma_semaphore, #tpu.memory_space<semaphore_mem>>)
    %dma_wait3A = arith.constant 0 : i32
    %dma_wait3A_46 = arith.constant 0 : i32
    %dma_wait3A_47 = arith.constant 0 : i32
    %dma_wait3A_48 = arith.constant 0 : i32
    %dma_wait3A_49 = arith.constant 0 : i32
    %dma_wait3A_50 = tpu.memref_slice %arg6[%dma_wait3A_47, %dma_wait3A_48, %dma_wait3A_49] : memref<3x128x128xf32, #tpu.memory_space<vmem>> -> memref<1x128x128xf32, #tpu.memory_space<vmem>>
    %dma_wait3A_51 = tpu.memref_squeeze %dma_wait3A_50 : memref<1x128x128xf32, #tpu.memory_space<vmem>> -> memref<128x128xf32, #tpu.memory_space<vmem>>
    %dma_wait3A_52 = arith.constant 0 : i32
    %dma_wait3A_53 = tpu.memref_slice %arg5[%dma_wait3A, %dma_wait3A_46, %dma_wait3A_52] : memref<3x1x128xi32, #tpu.memory_space<vmem>> -> memref<1x1x128xi32, #tpu.memory_space<vmem>>
    %dma_wait3A_54 = tpu.memref_squeeze %dma_wait3A_53 : memref<1x1x128xi32, #tpu.memory_space<vmem>> -> memref<128xi32, #tpu.memory_space<vmem>>
    %dma_wait3A_55 = arith.constant 0 : i32
    %dma_wait3A_56 = arith.constant 0 : i32
    %dma_wait3A_57 = tpu.memref_slice %arg2[%dma_wait3A_55, %dma_wait3A_56] : memref<4096x128xf32, #tpu.memory_space<hbm>> -> memref<4096x128xf32, #tpu.memory_space<hbm>>
    tpu.wait_indirect_dma semaphore(%arg7 : memref<!tpu.dma_semaphore, #tpu.memory_space<semaphore_mem>>) src(%dma_wait3A_57 : memref<4096x128xf32, #tpu.memory_space<hbm>>) dst(%dma_wait3A_51 : memref<128x128xf32, #tpu.memory_space<vmem>>)
    %dma_start3A_58 = arith.constant 0 : i32
    %dma_start3A_59 = arith.constant 0 : i32
    %dma_start3A_60 = arith.constant 0 : i32
    %dma_start3A_61 = arith.constant 0 : i32
    %dma_start3A_62 = tpu.memref_slice %arg6[%dma_start3A_58, %dma_start3A_60, %dma_start3A_61] : memref<3x128x128xf32, #tpu.memory_space<vmem>> -> memref<1x128x128xf32, #tpu.memory_space<vmem>>
    %dma_start3A_63 = tpu.memref_squeeze %dma_start3A_62 : memref<1x128x128xf32, #tpu.memory_space<vmem>> -> memref<128x128xf32, #tpu.memory_space<vmem>>
    %dma_start3A_64 = arith.constant 0 : i32
    %dma_start3A_65 = tpu.memref_slice %arg4[%dma_start3A_59, %mul3A_2, %dma_start3A_64] : memref<3x4096x128xf32, #tpu.memory_space<hbm>> -> memref<1x128x128xf32, #tpu.memory_space<hbm>>
    %dma_start3A_66 = tpu.memref_squeeze %dma_start3A_65 : memref<1x128x128xf32, #tpu.memory_space<hbm>> -> memref<128x128xf32, #tpu.memory_space<hbm>>
    %dma_start3A_67 = arith.constant 0 : i32
    %dma_start3A_68 = tpu.memref_slice %arg4[%dma_start3A_59, %mul3A_2, %dma_start3A_67] : memref<3x4096x128xf32, #tpu.memory_space<hbm>> -> memref<1x128x128xf32, #tpu.memory_space<hbm>>
    %dma_start3A_69 = tpu.memref_squeeze %dma_start3A_68 : memref<1x128x128xf32, #tpu.memory_space<hbm>> -> memref<128x128xf32, #tpu.memory_space<hbm>>
    %dma_start3A_70 = arith.constant 0 : i32
    %dma_start3A_71 = arith.constant 0 : i32
    %dma_start3A_72 = tpu.memref_slice %arg6[%dma_start3A_58, %dma_start3A_70, %dma_start3A_71] : memref<3x128x128xf32, #tpu.memory_space<vmem>> -> memref<1x128x128xf32, #tpu.memory_space<vmem>>
    %dma_start3A_73 = tpu.memref_squeeze %dma_start3A_72 : memref<1x128x128xf32, #tpu.memory_space<vmem>> -> memref<128x128xf32, #tpu.memory_space<vmem>>
    tpu.enqueue_dma source(%dma_start3A_73 : memref<128x128xf32, #tpu.memory_space<vmem>>) target(%dma_start3A_69 : memref<128x128xf32, #tpu.memory_space<hbm>>) target_semaphore(%arg8 : memref<!tpu.dma_semaphore, #tpu.memory_space<semaphore_mem>>)
    %dma_wait3A_74 = arith.constant 1 : i32
    %dma_wait3A_75 = arith.constant 0 : i32
    %dma_wait3A_76 = arith.constant 1 : i32
    %dma_wait3A_77 = arith.constant 0 : i32
    %dma_wait3A_78 = arith.constant 0 : i32
    %dma_wait3A_79 = tpu.memref_slice %arg6[%dma_wait3A_76, %dma_wait3A_77, %dma_wait3A_78] : memref<3x128x128xf32, #tpu.memory_space<vmem>> -> memref<1x128x128xf32, #tpu.memory_space<vmem>>
    %dma_wait3A_80 = tpu.memref_squeeze %dma_wait3A_79 : memref<1x128x128xf32, #tpu.memory_space<vmem>> -> memref<128x128xf32, #tpu.memory_space<vmem>>
    %dma_wait3A_81 = arith.constant 0 : i32
    %dma_wait3A_82 = tpu.memref_slice %arg5[%dma_wait3A_74, %dma_wait3A_75, %dma_wait3A_81] : memref<3x1x128xi32, #tpu.memory_space<vmem>> -> memref<1x1x128xi32, #tpu.memory_space<vmem>>
    %dma_wait3A_83 = tpu.memref_squeeze %dma_wait3A_82 : memref<1x1x128xi32, #tpu.memory_space<vmem>> -> memref<128xi32, #tpu.memory_space<vmem>>
    %dma_wait3A_84 = arith.constant 0 : i32
    %dma_wait3A_85 = arith.constant 0 : i32
    %dma_wait3A_86 = tpu.memref_slice %arg2[%dma_wait3A_84, %dma_wait3A_85] : memref<4096x128xf32, #tpu.memory_space<hbm>> -> memref<4096x128xf32, #tpu.memory_space<hbm>>
    tpu.wait_indirect_dma semaphore(%arg7 : memref<!tpu.dma_semaphore, #tpu.memory_space<semaphore_mem>>) src(%dma_wait3A_86 : memref<4096x128xf32, #tpu.memory_space<hbm>>) dst(%dma_wait3A_80 : memref<128x128xf32, #tpu.memory_space<vmem>>)
    %dma_start3A_87 = arith.constant 1 : i32
    %dma_start3A_88 = arith.constant 1 : i32
    %dma_start3A_89 = arith.constant 0 : i32
    %dma_start3A_90 = arith.constant 0 : i32
    %dma_start3A_91 = tpu.memref_slice %arg6[%dma_start3A_87, %dma_start3A_89, %dma_start3A_90] : memref<3x128x128xf32, #tpu.memory_space<vmem>> -> memref<1x128x128xf32, #tpu.memory_space<vmem>>
    %dma_start3A_92 = tpu.memref_squeeze %dma_start3A_91 : memref<1x128x128xf32, #tpu.memory_space<vmem>> -> memref<128x128xf32, #tpu.memory_space<vmem>>
    %dma_start3A_93 = arith.constant 0 : i32
    %dma_start3A_94 = tpu.memref_slice %arg4[%dma_start3A_88, %mul3A_2, %dma_start3A_93] : memref<3x4096x128xf32, #tpu.memory_space<hbm>> -> memref<1x128x128xf32, #tpu.memory_space<hbm>>
    %dma_start3A_95 = tpu.memref_squeeze %dma_start3A_94 : memref<1x128x128xf32, #tpu.memory_space<hbm>> -> memref<128x128xf32, #tpu.memory_space<hbm>>
    %dma_start3A_96 = arith.constant 0 : i32
    %dma_start3A_97 = tpu.memref_slice %arg4[%dma_start3A_88, %mul3A_2, %dma_start3A_96] : memref<3x4096x128xf32, #tpu.memory_space<hbm>> -> memref<1x128x128xf32, #tpu.memory_space<hbm>>
    %dma_start3A_98 = tpu.memref_squeeze %dma_start3A_97 : memref<1x128x128xf32, #tpu.memory_space<hbm>> -> memref<128x128xf32, #tpu.memory_space<hbm>>
    %dma_start3A_99 = arith.constant 0 : i32
    %dma_start3A_100 = arith.constant 0 : i32
    %dma_start3A_101 = tpu.memref_slice %arg6[%dma_start3A_87, %dma_start3A_99, %dma_start3A_100] : memref<3x128x128xf32, #tpu.memory_space<vmem>> -> memref<1x128x128xf32, #tpu.memory_space<vmem>>
    %dma_start3A_102 = tpu.memref_squeeze %dma_start3A_101 : memref<1x128x128xf32, #tpu.memory_space<vmem>> -> memref<128x128xf32, #tpu.memory_space<vmem>>
    tpu.enqueue_dma source(%dma_start3A_102 : memref<128x128xf32, #tpu.memory_space<vmem>>) target(%dma_start3A_98 : memref<128x128xf32, #tpu.memory_space<hbm>>) target_semaphore(%arg8 : memref<!tpu.dma_semaphore, #tpu.memory_space<semaphore_mem>>)
    %dma_wait3A_103 = arith.constant 2 : i32
    %dma_wait3A_104 = arith.constant 0 : i32
    %dma_wait3A_105 = arith.constant 2 : i32
    %dma_wait3A_106 = arith.constant 0 : i32
    %dma_wait3A_107 = arith.constant 0 : i32
    %dma_wait3A_108 = tpu.memref_slice %arg6[%dma_wait3A_105, %dma_wait3A_106, %dma_wait3A_107] : memref<3x128x128xf32, #tpu.memory_space<vmem>> -> memref<1x128x128xf32, #tpu.memory_space<vmem>>
    %dma_wait3A_109 = tpu.memref_squeeze %dma_wait3A_108 : memref<1x128x128xf32, #tpu.memory_space<vmem>> -> memref<128x128xf32, #tpu.memory_space<vmem>>
    %dma_wait3A_110 = arith.constant 0 : i32
    %dma_wait3A_111 = tpu.memref_slice %arg5[%dma_wait3A_103, %dma_wait3A_104, %dma_wait3A_110] : memref<3x1x128xi32, #tpu.memory_space<vmem>> -> memref<1x1x128xi32, #tpu.memory_space<vmem>>
    %dma_wait3A_112 = tpu.memref_squeeze %dma_wait3A_111 : memref<1x1x128xi32, #tpu.memory_space<vmem>> -> memref<128xi32, #tpu.memory_space<vmem>>
    %dma_wait3A_113 = arith.constant 0 : i32
    %dma_wait3A_114 = arith.constant 0 : i32
    %dma_wait3A_115 = tpu.memref_slice %arg2[%dma_wait3A_113, %dma_wait3A_114] : memref<4096x128xf32, #tpu.memory_space<hbm>> -> memref<4096x128xf32, #tpu.memory_space<hbm>>
    tpu.wait_indirect_dma semaphore(%arg7 : memref<!tpu.dma_semaphore, #tpu.memory_space<semaphore_mem>>) src(%dma_wait3A_115 : memref<4096x128xf32, #tpu.memory_space<hbm>>) dst(%dma_wait3A_109 : memref<128x128xf32, #tpu.memory_space<vmem>>)
    %dma_start3A_116 = arith.constant 2 : i32
    %dma_start3A_117 = arith.constant 2 : i32
    %dma_start3A_118 = arith.constant 0 : i32
    %dma_start3A_119 = arith.constant 0 : i32
    %dma_start3A_120 = tpu.memref_slice %arg6[%dma_start3A_116, %dma_start3A_118, %dma_start3A_119] : memref<3x128x128xf32, #tpu.memory_space<vmem>> -> memref<1x128x128xf32, #tpu.memory_space<vmem>>
    %dma_start3A_121 = tpu.memref_squeeze %dma_start3A_120 : memref<1x128x128xf32, #tpu.memory_space<vmem>> -> memref<128x128xf32, #tpu.memory_space<vmem>>
    %dma_start3A_122 = arith.constant 0 : i32
    %dma_start3A_123 = tpu.memref_slice %arg4[%dma_start3A_117, %mul3A_2, %dma_start3A_122] : memref<3x4096x128xf32, #tpu.memory_space<hbm>> -> memref<1x128x128xf32, #tpu.memory_space<hbm>>
    %dma_start3A_124 = tpu.memref_squeeze %dma_start3A_123 : memref<1x128x128xf32, #tpu.memory_space<hbm>> -> memref<128x128xf32, #tpu.memory_space<hbm>>
    %dma_start3A_125 = arith.constant 0 : i32
    %dma_start3A_126 = tpu.memref_slice %arg4[%dma_start3A_117, %mul3A_2, %dma_start3A_125] : memref<3x4096x128xf32, #tpu.memory_space<hbm>> -> memref<1x128x128xf32, #tpu.memory_space<hbm>>
    %dma_start3A_127 = tpu.memref_squeeze %dma_start3A_126 : memref<1x128x128xf32, #tpu.memory_space<hbm>> -> memref<128x128xf32, #tpu.memory_space<hbm>>
    %dma_start3A_128 = arith.constant 0 : i32
    %dma_start3A_129 = arith.constant 0 : i32
    %dma_start3A_130 = tpu.memref_slice %arg6[%dma_start3A_116, %dma_start3A_128, %dma_start3A_129] : memref<3x128x128xf32, #tpu.memory_space<vmem>> -> memref<1x128x128xf32, #tpu.memory_space<vmem>>
    %dma_start3A_131 = tpu.memref_squeeze %dma_start3A_130 : memref<1x128x128xf32, #tpu.memory_space<vmem>> -> memref<128x128xf32, #tpu.memory_space<vmem>>
    tpu.enqueue_dma source(%dma_start3A_131 : memref<128x128xf32, #tpu.memory_space<vmem>>) target(%dma_start3A_127 : memref<128x128xf32, #tpu.memory_space<hbm>>) target_semaphore(%arg8 : memref<!tpu.dma_semaphore, #tpu.memory_space<semaphore_mem>>)
    %dma_wait3A_132 = arith.constant 0 : i32
    %dma_wait3A_133 = arith.constant 0 : i32
    %dma_wait3A_134 = arith.constant 0 : i32
    %dma_wait3A_135 = arith.constant 0 : i32
    %dma_wait3A_136 = tpu.memref_slice %arg6[%dma_wait3A_132, %dma_wait3A_134, %dma_wait3A_135] : memref<3x128x128xf32, #tpu.memory_space<vmem>> -> memref<1x128x128xf32, #tpu.memory_space<vmem>>
    %dma_wait3A_137 = tpu.memref_squeeze %dma_wait3A_136 : memref<1x128x128xf32, #tpu.memory_space<vmem>> -> memref<128x128xf32, #tpu.memory_space<vmem>>
    %dma_wait3A_138 = arith.constant 0 : i32
    %dma_wait3A_139 = tpu.memref_slice %arg4[%dma_wait3A_133, %mul3A_2, %dma_wait3A_138] : memref<3x4096x128xf32, #tpu.memory_space<hbm>> -> memref<1x128x128xf32, #tpu.memory_space<hbm>>
    %dma_wait3A_140 = tpu.memref_squeeze %dma_wait3A_139 : memref<1x128x128xf32, #tpu.memory_space<hbm>> -> memref<128x128xf32, #tpu.memory_space<hbm>>
    %dma_wait3A_141 = arith.constant 0 : i32
    %dma_wait3A_142 = tpu.memref_slice %arg4[%dma_wait3A_133, %mul3A_2, %dma_wait3A_141] : memref<3x4096x128xf32, #tpu.memory_space<hbm>> -> memref<1x128x128xf32, #tpu.memory_space<hbm>>
    %dma_wait3A_143 = tpu.memref_squeeze %dma_wait3A_142 : memref<1x128x128xf32, #tpu.memory_space<hbm>> -> memref<128x128xf32, #tpu.memory_space<hbm>>
    %dma_wait3A_144 = arith.constant 0 : i32
    %dma_wait3A_145 = arith.constant 0 : i32
    %dma_wait3A_146 = tpu.memref_slice %arg6[%dma_wait3A_132, %dma_wait3A_144, %dma_wait3A_145] : memref<3x128x128xf32, #tpu.memory_space<vmem>> -> memref<1x128x128xf32, #tpu.memory_space<vmem>>
    %dma_wait3A_147 = tpu.memref_squeeze %dma_wait3A_146 : memref<1x128x128xf32, #tpu.memory_space<vmem>> -> memref<128x128xf32, #tpu.memory_space<vmem>>
    tpu.wait_dma2 semaphore(%arg8 : memref<!tpu.dma_semaphore, #tpu.memory_space<semaphore_mem>>) src(%dma_wait3A_147 : memref<128x128xf32, #tpu.memory_space<vmem>>) dst(%dma_wait3A_143 : memref<128x128xf32, #tpu.memory_space<hbm>>)
    %dma_wait3A_148 = arith.constant 1 : i32
    %dma_wait3A_149 = arith.constant 1 : i32
    %dma_wait3A_150 = arith.constant 0 : i32
    %dma_wait3A_151 = arith.constant 0 : i32
    %dma_wait3A_152 = tpu.memref_slice %arg6[%dma_wait3A_148, %dma_wait3A_150, %dma_wait3A_151] : memref<3x128x128xf32, #tpu.memory_space<vmem>> -> memref<1x128x128xf32, #tpu.memory_space<vmem>>
    %dma_wait3A_153 = tpu.memref_squeeze %dma_wait3A_152 : memref<1x128x128xf32, #tpu.memory_space<vmem>> -> memref<128x128xf32, #tpu.memory_space<vmem>>
    %dma_wait3A_154 = arith.constant 0 : i32
    %dma_wait3A_155 = tpu.memref_slice %arg4[%dma_wait3A_149, %mul3A_2, %dma_wait3A_154] : memref<3x4096x128xf32, #tpu.memory_space<hbm>> -> memref<1x128x128xf32, #tpu.memory_space<hbm>>
    %dma_wait3A_156 = tpu.memref_squeeze %dma_wait3A_155 : memref<1x128x128xf32, #tpu.memory_space<hbm>> -> memref<128x128xf32, #tpu.memory_space<hbm>>
    %dma_wait3A_157 = arith.constant 0 : i32
    %dma_wait3A_158 = tpu.memref_slice %arg4[%dma_wait3A_149, %mul3A_2, %dma_wait3A_157] : memref<3x4096x128xf32, #tpu.memory_space<hbm>> -> memref<1x128x128xf32, #tpu.memory_space<hbm>>
    %dma_wait3A_159 = tpu.memref_squeeze %dma_wait3A_158 : memref<1x128x128xf32, #tpu.memory_space<hbm>> -> memref<128x128xf32, #tpu.memory_space<hbm>>
    %dma_wait3A_160 = arith.constant 0 : i32
    %dma_wait3A_161 = arith.constant 0 : i32
    %dma_wait3A_162 = tpu.memref_slice %arg6[%dma_wait3A_148, %dma_wait3A_160, %dma_wait3A_161] : memref<3x128x128xf32, #tpu.memory_space<vmem>> -> memref<1x128x128xf32, #tpu.memory_space<vmem>>
    %dma_wait3A_163 = tpu.memref_squeeze %dma_wait3A_162 : memref<1x128x128xf32, #tpu.memory_space<vmem>> -> memref<128x128xf32, #tpu.memory_space<vmem>>
    tpu.wait_dma2 semaphore(%arg8 : memref<!tpu.dma_semaphore, #tpu.memory_space<semaphore_mem>>) src(%dma_wait3A_163 : memref<128x128xf32, #tpu.memory_space<vmem>>) dst(%dma_wait3A_159 : memref<128x128xf32, #tpu.memory_space<hbm>>)
    %dma_wait3A_164 = arith.constant 2 : i32
    %dma_wait3A_165 = arith.constant 2 : i32
    %dma_wait3A_166 = arith.constant 0 : i32
    %dma_wait3A_167 = arith.constant 0 : i32
    %dma_wait3A_168 = tpu.memref_slice %arg6[%dma_wait3A_164, %dma_wait3A_166, %dma_wait3A_167] : memref<3x128x128xf32, #tpu.memory_space<vmem>> -> memref<1x128x128xf32, #tpu.memory_space<vmem>>
    %dma_wait3A_169 = tpu.memref_squeeze %dma_wait3A_168 : memref<1x128x128xf32, #tpu.memory_space<vmem>> -> memref<128x128xf32, #tpu.memory_space<vmem>>
    %dma_wait3A_170 = arith.constant 0 : i32
    %dma_wait3A_171 = tpu.memref_slice %arg4[%dma_wait3A_165, %mul3A_2, %dma_wait3A_170] : memref<3x4096x128xf32, #tpu.memory_space<hbm>> -> memref<1x128x128xf32, #tpu.memory_space<hbm>>
    %dma_wait3A_172 = tpu.memref_squeeze %dma_wait3A_171 : memref<1x128x128xf32, #tpu.memory_space<hbm>> -> memref<128x128xf32, #tpu.memory_space<hbm>>
    %dma_wait3A_173 = arith.constant 0 : i32
    %dma_wait3A_174 = tpu.memref_slice %arg4[%dma_wait3A_165, %mul3A_2, %dma_wait3A_173] : memref<3x4096x128xf32, #tpu.memory_space<hbm>> -> memref<1x128x128xf32, #tpu.memory_space<hbm>>
    %dma_wait3A_175 = tpu.memref_squeeze %dma_wait3A_174 : memref<1x128x128xf32, #tpu.memory_space<hbm>> -> memref<128x128xf32, #tpu.memory_space<hbm>>
    %dma_wait3A_176 = arith.constant 0 : i32
    %dma_wait3A_177 = arith.constant 0 : i32
    %dma_wait3A_178 = tpu.memref_slice %arg6[%dma_wait3A_164, %dma_wait3A_176, %dma_wait3A_177] : memref<3x128x128xf32, #tpu.memory_space<vmem>> -> memref<1x128x128xf32, #tpu.memory_space<vmem>>
    %dma_wait3A_179 = tpu.memref_squeeze %dma_wait3A_178 : memref<1x128x128xf32, #tpu.memory_space<vmem>> -> memref<128x128xf32, #tpu.memory_space<vmem>>
    tpu.wait_dma2 semaphore(%arg8 : memref<!tpu.dma_semaphore, #tpu.memory_space<semaphore_mem>>) src(%dma_wait3A_179 : memref<128x128xf32, #tpu.memory_space<vmem>>) dst(%dma_wait3A_175 : memref<128x128xf32, #tpu.memory_space<hbm>>)
    return
  }
}

module attributes {stable_mosaic.version = 14 : i64} {
  func.func @_conv_body_first(%arg0: i32, %arg1: i32, %arg2: memref<3x1x1024x128xf32, #tpu.memory_space<vmem>>, %arg3: memref<3x128x128xf32, #tpu.memory_space<vmem>>, %arg4: memref<1x128xf32, #tpu.memory_space<vmem>>, %arg5: memref<1x128x1024xf32, #tpu.memory_space<vmem>>) attributes {dimension_semantics = [#tpu.dimension_semantics<arbitrary>, #tpu.dimension_semantics<arbitrary>], iteration_bounds = array<i64: 2, 2>, scalar_prefetch = 0 : i64, scratch_operands = 0 : i64, tpu.core_type = #tpu.core_type<tc>, window_params = [{transform_indices = @transform_0, window_bounds = array<i64: 3, 1, 1024, 128>}, {pipeline_mode = #tpu.pipeline_mode<synchronous>, transform_indices = @transform_1, window_bounds = array<i64: 3, 128, 128>}, {pipeline_mode = #tpu.pipeline_mode<synchronous>, transform_indices = @transform_2, window_bounds = array<i64: 1, 128>}, {transform_indices = @transform_3, window_bounds = array<i64: 1, 128, 1024>}]} {
    %get3A = arith.constant 0 : index
    %get3A_0 = arith.constant 0 : index
    %get3A_1 = vector.load %arg4[%get3A, %get3A_0] : memref<1x128xf32, #tpu.memory_space<vmem>>, vector<1x128xf32>
    %transpose3A = tpu.transpose %get3A_1, [1, 0] : vector<1x128xf32> -> vector<128x1xf32>
    %broadcast_in_dim3A = vector.shape_cast %transpose3A : vector<128x1xf32> to vector<128x1xf32>
    %broadcast_in_dim3A_2 = vector.broadcast %broadcast_in_dim3A : vector<128x1xf32> to vector<128x1024xf32>
    %get3A_3 = arith.constant 0 : index
    %get3A_4 = arith.constant 0 : index
    %get3A_5 = arith.constant 0 : index
    %get3A_6 = vector.load %arg3[%get3A_3, %get3A_4, %get3A_5] : memref<3x128x128xf32, #tpu.memory_space<vmem>>, vector<1x128x128xf32>
    %get3A_7 = vector.shape_cast %get3A_6 : vector<1x128x128xf32> to vector<128x128xf32>
    %get3A_8 = arith.constant 0 : index
    %get3A_9 = arith.constant 0 : index
    %get3A_10 = arith.constant 0 : index
    %get3A_11 = arith.constant 0 : index
    %get3A_12 = vector.load %arg2[%get3A_8, %get3A_9, %get3A_10, %get3A_11] : memref<3x1x1024x128xf32, #tpu.memory_space<vmem>>, vector<1x1x1024x128xf32>
    %get3A_13 = vector.shape_cast %get3A_12 : vector<1x1x1024x128xf32> to vector<1024x128xf32>
    %dot_general3A = arith.constant dense<0.000000e+00> : vector<128x1024xf32>
    %dot_general3A_14 = tpu.matmul %get3A_7, %get3A_13, %dot_general3A {dimension_numbers = #tpu.dot_dimension_numbers<[1], [1], [0], [0], [0, 0, 1, 0], [], []>, transpose_lhs_hint = false} : vector<128x128xf32>, vector<1024x128xf32>, vector<128x1024xf32> -> vector<128x1024xf32>
    %add3A = arith.addf %broadcast_in_dim3A_2, %dot_general3A_14 : vector<128x1024xf32>
    %get3A_15 = arith.constant 1 : index
    %get3A_16 = arith.constant 0 : index
    %get3A_17 = arith.constant 0 : index
    %get3A_18 = vector.load %arg3[%get3A_15, %get3A_16, %get3A_17] : memref<3x128x128xf32, #tpu.memory_space<vmem>>, vector<1x128x128xf32>
    %get3A_19 = vector.shape_cast %get3A_18 : vector<1x128x128xf32> to vector<128x128xf32>
    %get3A_20 = arith.constant 1 : index
    %get3A_21 = arith.constant 0 : index
    %get3A_22 = arith.constant 0 : index
    %get3A_23 = arith.constant 0 : index
    %get3A_24 = vector.load %arg2[%get3A_20, %get3A_21, %get3A_22, %get3A_23] : memref<3x1x1024x128xf32, #tpu.memory_space<vmem>>, vector<1x1x1024x128xf32>
    %get3A_25 = vector.shape_cast %get3A_24 : vector<1x1x1024x128xf32> to vector<1024x128xf32>
    %dot_general3A_26 = arith.constant dense<0.000000e+00> : vector<128x1024xf32>
    %dot_general3A_27 = tpu.matmul %get3A_19, %get3A_25, %dot_general3A_26 {dimension_numbers = #tpu.dot_dimension_numbers<[1], [1], [0], [0], [0, 0, 1, 0], [], []>, transpose_lhs_hint = false} : vector<128x128xf32>, vector<1024x128xf32>, vector<128x1024xf32> -> vector<128x1024xf32>
    %add3A_28 = arith.addf %add3A, %dot_general3A_27 : vector<128x1024xf32>
    %get3A_29 = arith.constant 2 : index
    %get3A_30 = arith.constant 0 : index
    %get3A_31 = arith.constant 0 : index
    %get3A_32 = vector.load %arg3[%get3A_29, %get3A_30, %get3A_31] : memref<3x128x128xf32, #tpu.memory_space<vmem>>, vector<1x128x128xf32>
    %get3A_33 = vector.shape_cast %get3A_32 : vector<1x128x128xf32> to vector<128x128xf32>
    %get3A_34 = arith.constant 2 : index
    %get3A_35 = arith.constant 0 : index
    %get3A_36 = arith.constant 0 : index
    %get3A_37 = arith.constant 0 : index
    %get3A_38 = vector.load %arg2[%get3A_34, %get3A_35, %get3A_36, %get3A_37] : memref<3x1x1024x128xf32, #tpu.memory_space<vmem>>, vector<1x1x1024x128xf32>
    %get3A_39 = vector.shape_cast %get3A_38 : vector<1x1x1024x128xf32> to vector<1024x128xf32>
    %dot_general3A_40 = arith.constant dense<0.000000e+00> : vector<128x1024xf32>
    %dot_general3A_41 = tpu.matmul %get3A_33, %get3A_39, %dot_general3A_40 {dimension_numbers = #tpu.dot_dimension_numbers<[1], [1], [0], [0], [0, 0, 1, 0], [], []>, transpose_lhs_hint = false} : vector<128x128xf32>, vector<1024x128xf32>, vector<128x1024xf32> -> vector<128x1024xf32>
    %add3A_42 = arith.addf %add3A_28, %dot_general3A_41 : vector<128x1024xf32>
    %swap3A = arith.constant 0 : index
    %swap3A_43 = arith.constant 0 : index
    %swap3A_44 = arith.constant 0 : index
    %swap3A_45 = vector.load %arg5[%swap3A, %swap3A_43, %swap3A_44] : memref<1x128x1024xf32, #tpu.memory_space<vmem>>, vector<1x128x1024xf32>
    %swap3A_46 = vector.shape_cast %swap3A_45 : vector<1x128x1024xf32> to vector<128x1024xf32>
    %swap3A_47 = vector.shape_cast %add3A_42 : vector<128x1024xf32> to vector<1x128x1024xf32>
    tpu.vector_store %arg5[%swap3A, %swap3A_43, %swap3A_44], %swap3A_47 {strides = array<i32>} : memref<1x128x1024xf32, #tpu.memory_space<vmem>>, vector<1x128x1024xf32>,
    return
  }
  func.func @transform_0(%arg0: i32, %arg1: i32) -> (i32, i32, i32, i32) {
    %c0_i32 = arith.constant 0 : i32
    %c0_i32_0 = arith.constant 0 : i32
    %c0_i32_1 = arith.constant 0 : i32
    return %c0_i32, %arg0, %arg1, %c0_i32_0 : i32, i32, i32, i32
  }
  func.func @transform_1(%arg0: i32, %arg1: i32) -> (i32, i32, i32) {
    %c0_i32 = arith.constant 0 : i32
    %c0_i32_0 = arith.constant 0 : i32
    %c0_i32_1 = arith.constant 0 : i32
    %c0_i32_2 = arith.constant 0 : i32
    return %c0_i32, %c0_i32_0, %c0_i32_1 : i32, i32, i32
  }
  func.func @transform_2(%arg0: i32, %arg1: i32) -> (i32, i32) {
    %c0_i32 = arith.constant 0 : i32
    %c0_i32_0 = arith.constant 0 : i32
    %c0_i32_1 = arith.constant 0 : i32
    return %c0_i32, %c0_i32_0 : i32, i32
  }
  func.func @transform_3(%arg0: i32, %arg1: i32) -> (i32, i32, i32) {
    %add3A = arith.constant 0 : i32
    %add3A_0 = arith.addi %add3A, %arg0 : i32
    %c0_i32 = arith.constant 0 : i32
    %c0_i32_1 = arith.constant 0 : i32
    return %add3A_0, %c0_i32, %arg1 : i32, i32, i32
  }
}

module attributes {stable_mosaic.version = 14 : i64} {
  func.func @_knn_body(%arg0: i32, %arg1: i32, %arg2: memref<1x128x1024xf32, #tpu.memory_space<vmem>>, %arg3: memref<1x128x2048xf32, #tpu.memory_space<vmem>>, %arg4: memref<3x1x1x1x1024xi32, #tpu.memory_space<vmem>>, %arg5: memref<1x1024x128xf32, #tpu.memory_space<vmem>>, %arg6: memref<1x2048xf32, #tpu.memory_space<vmem>>) attributes {dimension_semantics = [#tpu.dimension_semantics<arbitrary>, #tpu.dimension_semantics<arbitrary>], iteration_bounds = array<i64: 2, 2>, scalar_prefetch = 0 : i64, scratch_operands = 1 : i64, tpu.core_type = #tpu.core_type<tc>, window_params = [{transform_indices = @transform_0, window_bounds = array<i64: 1, 128, 1024>}, {transform_indices = @transform_1, window_bounds = array<i64: 1, 128, 2048>}, {transform_indices = @transform_2, window_bounds = array<i64: 3, 1, 1, 1, 1024>}, {transform_indices = @transform_3, window_bounds = array<i64: 1, 1024, 128>}]} {
    %get3A = arith.constant 0 : index
    %get3A_0 = arith.constant 0 : index
    %get3A_1 = arith.constant 0 : index
    %get3A_2 = vector.load %arg2[%get3A, %get3A_0, %get3A_1] : memref<1x128x1024xf32, #tpu.memory_space<vmem>>, vector<1x128x1024xf32>
    %get3A_3 = vector.shape_cast %get3A_2 : vector<1x128x1024xf32> to vector<128x1024xf32>
    %get3A_4 = arith.constant 0 : index
    %get3A_5 = arith.constant 0 : index
    %get3A_6 = arith.constant 0 : index
    %get3A_7 = vector.load %arg3[%get3A_4, %get3A_5, %get3A_6] : memref<1x128x2048xf32, #tpu.memory_space<vmem>>, vector<1x128x2048xf32>
    %get3A_8 = vector.shape_cast %get3A_7 : vector<1x128x2048xf32> to vector<128x2048xf32>
    %eq3A = arith.constant 0 : i32
    %eq3A_9 = arith.cmpi eq, %arg1, %eq3A : i32
    %convert_element_type3A = arith.extui %eq3A_9 : i1 to i32
    %cond3A = arith.constant 0 : i32
    %cond3A_10 = arith.cmpi ne, %convert_element_type3A, %cond3A : i32
    scf.if %cond3A_10 {
      %mul3A_111 = arith.mulf %get3A_8, %get3A_8 : vector<128x2048xf32>
      %reduce_sum3A_112 = arith.constant dense<0.000000e+00> : vector<2048xf32>
      %reduce_sum3A_113 = vector.multi_reduction <add>, %mul3A_111, %reduce_sum3A_112 [0] : vector<128x2048xf32> to vector<2048xf32>
      %broadcast_in_dim3A_114 = vector.shape_cast %reduce_sum3A_113 : vector<2048xf32> to vector<1x2048xf32>
      %swap3A_115 = arith.constant 0 : index
      %swap3A_116 = arith.constant 0 : index
      %swap3A_117 = vector.load %arg6[%swap3A_115, %swap3A_116] : memref<1x2048xf32, #tpu.memory_space<vmem>>, vector<1x2048xf32>
      tpu.vector_store %arg6[%swap3A_115, %swap3A_116], %broadcast_in_dim3A_114 {strides = array<i32>} : memref<1x2048xf32, #tpu.memory_space<vmem>>, vector<1x2048xf32>,
    } else {
    }
    %mul3A = arith.constant -2.000000e+00 : f32
    %mul3A_11 = vector.broadcast %mul3A : f32 to vector<128x1024xf32>
    %mul3A_12 = arith.mulf %mul3A_11, %get3A_3 : vector<128x1024xf32>
    %dot_general3A = arith.constant dense<0.000000e+00> : vector<1024x2048xf32>
    %dot_general3A_13 = tpu.matmul %mul3A_12, %get3A_8, %dot_general3A {dimension_numbers = #tpu.dot_dimension_numbers<[0], [0], [1], [1], [0, 1, 1, 1], [], []>, transpose_lhs_hint = false} : vector<128x1024xf32>, vector<128x2048xf32>, vector<1024x2048xf32> -> vector<1024x2048xf32>
    %mul3A_14 = arith.mulf %get3A_3, %get3A_3 : vector<128x1024xf32>
    %reduce_sum3A = arith.constant dense<0.000000e+00> : vector<1024xf32>
    %reduce_sum3A_15 = vector.multi_reduction <add>, %mul3A_14, %reduce_sum3A [0] : vector<128x1024xf32> to vector<1024xf32>
    %broadcast_in_dim3A = vector.shape_cast %reduce_sum3A_15 : vector<1024xf32> to vector<1x1024xf32>
    %transpose3A = tpu.transpose %broadcast_in_dim3A, [1, 0] : vector<1x1024xf32> -> vector<1024x1xf32>
    %get3A_16 = arith.constant 0 : index
    %get3A_17 = arith.constant 0 : index
    %get3A_18 = vector.load %arg6[%get3A_16, %get3A_17] : memref<1x2048xf32, #tpu.memory_space<vmem>>, vector<1x2048xf32>
    %add3A = vector.broadcast %transpose3A : vector<1024x1xf32> to vector<1024x2048xf32>
    %add3A_19 = vector.broadcast %get3A_18 : vector<1x2048xf32> to vector<1024x2048xf32>
    %add3A_20 = arith.addf %add3A, %add3A_19 : vector<1024x2048xf32>
    %add3A_21 = arith.addf %add3A_20, %dot_general3A_13 : vector<1024x2048xf32>
    %mul3A_22 = arith.constant 2048 : i32
    %mul3A_23 = arith.muli %arg0, %mul3A_22 : i32
    %iota3A = tpu.iota {dimensions = array<i32: 1>} : vector<1024x2048xi32>
    %convert_element_type3A_24 = arith.sitofp %iota3A : vector<1024x2048xi32> to vector<1024x2048xf32>
    %reduce_min3A = arith.constant dense<0x7F800000> : vector<1024xf32>
    %reduce_min3A_25 = vector.multi_reduction <minimumf>, %add3A_21, %reduce_min3A [1] : vector<1024x2048xf32> to vector<1024xf32>
    %broadcast_in_dim3A_26 = vector.shape_cast %reduce_min3A_25 : vector<1024xf32> to vector<1024x1xf32>
    %eq3A_27 = vector.broadcast %broadcast_in_dim3A_26 : vector<1024x1xf32> to vector<1024x2048xf32>
    %eq3A_28 = arith.cmpf oeq, %add3A_21, %eq3A_27 : vector<1024x2048xf32>
    %jit3A = arith.constant 1.000000e+30 : f32
    %broadcast_in_dim3A_29 = vector.broadcast %jit3A : f32 to vector<1024x2048xf32>
    %select_n3A = arith.select %eq3A_28, %convert_element_type3A_24, %broadcast_in_dim3A_29 : vector<1024x2048xi1>, vector<1024x2048xf32>
    %reduce_min3A_30 = arith.constant dense<0x7F800000> : vector<1024xf32>
    %reduce_min3A_31 = vector.multi_reduction <minimumf>, %select_n3A, %reduce_min3A_30 [1] : vector<1024x2048xf32> to vector<1024xf32>
    %broadcast_in_dim3A_32 = vector.shape_cast %reduce_min3A_31 : vector<1024xf32> to vector<1024x1xf32>
    %convert_element_type3A_33 = arith.fptosi %broadcast_in_dim3A_32 : vector<1024x1xf32> to vector<1024x1xi32>
    %transpose3A_34 = tpu.transpose %convert_element_type3A_33, [1, 0] : vector<1024x1xi32> -> vector<1x1024xi32>
    %add3A_35 = vector.broadcast %mul3A_23 : i32 to vector<1x1024xi32>
    %add3A_36 = arith.addi %transpose3A_34, %add3A_35 : vector<1x1024xi32>
    %swap3A = arith.constant 0 : index
    %swap3A_37 = arith.constant 0 : index
    %swap3A_38 = arith.constant 0 : index
    %swap3A_39 = arith.constant 0 : index
    %swap3A_40 = arith.constant 0 : index
    %swap3A_41 = vector.load %arg4[%swap3A, %swap3A_37, %swap3A_38, %swap3A_39, %swap3A_40] : memref<3x1x1x1x1024xi32, #tpu.memory_space<vmem>>, vector<1x1x1x1x1024xi32>
    %swap3A_42 = vector.shape_cast %swap3A_41 : vector<1x1x1x1x1024xi32> to vector<1x1024xi32>
    %swap3A_43 = vector.shape_cast %add3A_36 : vector<1x1024xi32> to vector<1x1x1x1x1024xi32>
    tpu.vector_store %arg4[%swap3A, %swap3A_37, %swap3A_38, %swap3A_39, %swap3A_40], %swap3A_43 {strides = array<i32>} : memref<3x1x1x1x1024xi32, #tpu.memory_space<vmem>>, vector<1x1x1x1x1024xi32>,
    %eq3A_44 = vector.broadcast %broadcast_in_dim3A_32 : vector<1024x1xf32> to vector<1024x2048xf32>
    %eq3A_45 = arith.cmpf oeq, %select_n3A, %eq3A_44 : vector<1024x2048xf32>
    %jit3A_46 = arith.constant 1.000000e+30 : f32
    %broadcast_in_dim3A_47 = vector.broadcast %jit3A_46 : f32 to vector<1024x2048xf32>
    %select_n3A_48 = arith.select %eq3A_45, %broadcast_in_dim3A_47, %add3A_21 : vector<1024x2048xi1>, vector<1024x2048xf32>
    %iota3A_49 = tpu.iota {dimensions = array<i32: 1>} : vector<1024x2048xi32>
    %convert_element_type3A_50 = arith.sitofp %iota3A_49 : vector<1024x2048xi32> to vector<1024x2048xf32>
    %reduce_min3A_51 = arith.constant dense<0x7F800000> : vector<1024xf32>
    %reduce_min3A_52 = vector.multi_reduction <minimumf>, %select_n3A_48, %reduce_min3A_51 [1] : vector<1024x2048xf32> to vector<1024xf32>
    %broadcast_in_dim3A_53 = vector.shape_cast %reduce_min3A_52 : vector<1024xf32> to vector<1024x1xf32>
    %eq3A_54 = vector.broadcast %broadcast_in_dim3A_53 : vector<1024x1xf32> to vector<1024x2048xf32>
    %eq3A_55 = arith.cmpf oeq, %select_n3A_48, %eq3A_54 : vector<1024x2048xf32>
    %jit3A_56 = arith.constant 1.000000e+30 : f32
    %broadcast_in_dim3A_57 = vector.broadcast %jit3A_56 : f32 to vector<1024x2048xf32>
    %select_n3A_58 = arith.select %eq3A_55, %convert_element_type3A_50, %broadcast_in_dim3A_57 : vector<1024x2048xi1>, vector<1024x2048xf32>
    %reduce_min3A_59 = arith.constant dense<0x7F800000> : vector<1024xf32>
    %reduce_min3A_60 = vector.multi_reduction <minimumf>, %select_n3A_58, %reduce_min3A_59 [1] : vector<1024x2048xf32> to vector<1024xf32>
    %broadcast_in_dim3A_61 = vector.shape_cast %reduce_min3A_60 : vector<1024xf32> to vector<1024x1xf32>
    %convert_element_type3A_62 = arith.fptosi %broadcast_in_dim3A_61 : vector<1024x1xf32> to vector<1024x1xi32>
    %transpose3A_63 = tpu.transpose %convert_element_type3A_62, [1, 0] : vector<1024x1xi32> -> vector<1x1024xi32>
    %add3A_64 = vector.broadcast %mul3A_23 : i32 to vector<1x1024xi32>
    %add3A_65 = arith.addi %transpose3A_63, %add3A_64 : vector<1x1024xi32>
    %swap3A_66 = arith.constant 1 : index
    %swap3A_67 = arith.constant 0 : index
    %swap3A_68 = arith.constant 0 : index
    %swap3A_69 = arith.constant 0 : index
    %swap3A_70 = arith.constant 0 : index
    %swap3A_71 = vector.load %arg4[%swap3A_66, %swap3A_67, %swap3A_68, %swap3A_69, %swap3A_70] : memref<3x1x1x1x1024xi32, #tpu.memory_space<vmem>>, vector<1x1x1x1x1024xi32>
    %swap3A_72 = vector.shape_cast %swap3A_71 : vector<1x1x1x1x1024xi32> to vector<1x1024xi32>
    %swap3A_73 = vector.shape_cast %add3A_65 : vector<1x1024xi32> to vector<1x1x1x1x1024xi32>
    tpu.vector_store %arg4[%swap3A_66, %swap3A_67, %swap3A_68, %swap3A_69, %swap3A_70], %swap3A_73 {strides = array<i32>} : memref<3x1x1x1x1024xi32, #tpu.memory_space<vmem>>, vector<1x1x1x1x1024xi32>,
    %eq3A_74 = vector.broadcast %broadcast_in_dim3A_61 : vector<1024x1xf32> to vector<1024x2048xf32>
    %eq3A_75 = arith.cmpf oeq, %select_n3A_58, %eq3A_74 : vector<1024x2048xf32>
    %jit3A_76 = arith.constant 1.000000e+30 : f32
    %broadcast_in_dim3A_77 = vector.broadcast %jit3A_76 : f32 to vector<1024x2048xf32>
    %select_n3A_78 = arith.select %eq3A_75, %broadcast_in_dim3A_77, %select_n3A_48 : vector<1024x2048xi1>, vector<1024x2048xf32>
    %iota3A_79 = tpu.iota {dimensions = array<i32: 1>} : vector<1024x2048xi32>
    %convert_element_type3A_80 = arith.sitofp %iota3A_79 : vector<1024x2048xi32> to vector<1024x2048xf32>
    %reduce_min3A_81 = arith.constant dense<0x7F800000> : vector<1024xf32>
    %reduce_min3A_82 = vector.multi_reduction <minimumf>, %select_n3A_78, %reduce_min3A_81 [1] : vector<1024x2048xf32> to vector<1024xf32>
    %broadcast_in_dim3A_83 = vector.shape_cast %reduce_min3A_82 : vector<1024xf32> to vector<1024x1xf32>
    %eq3A_84 = vector.broadcast %broadcast_in_dim3A_83 : vector<1024x1xf32> to vector<1024x2048xf32>
    %eq3A_85 = arith.cmpf oeq, %select_n3A_78, %eq3A_84 : vector<1024x2048xf32>
    %jit3A_86 = arith.constant 1.000000e+30 : f32
    %broadcast_in_dim3A_87 = vector.broadcast %jit3A_86 : f32 to vector<1024x2048xf32>
    %select_n3A_88 = arith.select %eq3A_85, %convert_element_type3A_80, %broadcast_in_dim3A_87 : vector<1024x2048xi1>, vector<1024x2048xf32>
    %reduce_min3A_89 = arith.constant dense<0x7F800000> : vector<1024xf32>
    %reduce_min3A_90 = vector.multi_reduction <minimumf>, %select_n3A_88, %reduce_min3A_89 [1] : vector<1024x2048xf32> to vector<1024xf32>
    %broadcast_in_dim3A_91 = vector.shape_cast %reduce_min3A_90 : vector<1024xf32> to vector<1024x1xf32>
    %convert_element_type3A_92 = arith.fptosi %broadcast_in_dim3A_91 : vector<1024x1xf32> to vector<1024x1xi32>
    %transpose3A_93 = tpu.transpose %convert_element_type3A_92, [1, 0] : vector<1024x1xi32> -> vector<1x1024xi32>
    %add3A_94 = vector.broadcast %mul3A_23 : i32 to vector<1x1024xi32>
    %add3A_95 = arith.addi %transpose3A_93, %add3A_94 : vector<1x1024xi32>
    %swap3A_96 = arith.constant 2 : index
    %swap3A_97 = arith.constant 0 : index
    %swap3A_98 = arith.constant 0 : index
    %swap3A_99 = arith.constant 0 : index
    %swap3A_100 = arith.constant 0 : index
    %swap3A_101 = vector.load %arg4[%swap3A_96, %swap3A_97, %swap3A_98, %swap3A_99, %swap3A_100] : memref<3x1x1x1x1024xi32, #tpu.memory_space<vmem>>, vector<1x1x1x1x1024xi32>
    %swap3A_102 = vector.shape_cast %swap3A_101 : vector<1x1x1x1x1024xi32> to vector<1x1024xi32>
    %swap3A_103 = vector.shape_cast %add3A_95 : vector<1x1024xi32> to vector<1x1x1x1x1024xi32>
    tpu.vector_store %arg4[%swap3A_96, %swap3A_97, %swap3A_98, %swap3A_99, %swap3A_100], %swap3A_103 {strides = array<i32>} : memref<3x1x1x1x1024xi32, #tpu.memory_space<vmem>>, vector<1x1x1x1x1024xi32>,
    %transpose3A_104 = tpu.transpose %get3A_3, [1, 0] : vector<128x1024xf32> -> vector<1024x128xf32>
    %swap3A_105 = arith.constant 0 : index
    %swap3A_106 = arith.constant 0 : index
    %swap3A_107 = arith.constant 0 : index
    %swap3A_108 = vector.load %arg5[%swap3A_105, %swap3A_106, %swap3A_107] : memref<1x1024x128xf32, #tpu.memory_space<vmem>>, vector<1x1024x128xf32>
    %swap3A_109 = vector.shape_cast %swap3A_108 : vector<1x1024x128xf32> to vector<1024x128xf32>
    %swap3A_110 = vector.shape_cast %transpose3A_104 : vector<1024x128xf32> to vector<1x1024x128xf32>
    tpu.vector_store %arg5[%swap3A_105, %swap3A_106, %swap3A_107], %swap3A_110 {strides = array<i32>} : memref<1x1024x128xf32, #tpu.memory_space<vmem>>, vector<1x1024x128xf32>,
    return
  }
  func.func @transform_0(%arg0: i32, %arg1: i32) -> (i32, i32, i32) {
    %add3A = arith.constant 0 : i32
    %add3A_0 = arith.addi %add3A, %arg0 : i32
    %c0_i32 = arith.constant 0 : i32
    %c0_i32_1 = arith.constant 0 : i32
    return %add3A_0, %c0_i32, %arg1 : i32, i32, i32
  }
  func.func @transform_1(%arg0: i32, %arg1: i32) -> (i32, i32, i32) {
    %add3A = arith.constant 0 : i32
    %add3A_0 = arith.addi %add3A, %arg0 : i32
    %c0_i32 = arith.constant 0 : i32
    %c0_i32_1 = arith.constant 0 : i32
    %c0_i32_2 = arith.constant 0 : i32
    return %add3A_0, %c0_i32, %c0_i32_1 : i32, i32, i32
  }
  func.func @transform_2(%arg0: i32, %arg1: i32) -> (i32, i32, i32, i32, i32) {
    %c0_i32 = arith.constant 0 : i32
    %c0_i32_0 = arith.constant 0 : i32
    %c0_i32_1 = arith.constant 0 : i32
    %c0_i32_2 = arith.constant 0 : i32
    return %c0_i32, %arg0, %arg1, %c0_i32_0, %c0_i32_1 : i32, i32, i32, i32, i32
  }
  func.func @transform_3(%arg0: i32, %arg1: i32) -> (i32, i32, i32) {
    %c0_i32 = arith.constant 0 : i32
    %c0_i32_0 = arith.constant 0 : i32
    return %arg0, %arg1, %c0_i32 : i32, i32, i32
  }
}

module attributes {stable_mosaic.version = 14 : i64} {
  func.func @_knn_body(%arg0: i32, %arg1: i32, %arg2: memref<1x128x1024xf32, #tpu.memory_space<vmem>>, %arg3: memref<1x128x2048xf32, #tpu.memory_space<vmem>>, %arg4: memref<3x1x1x1x1024xi32, #tpu.memory_space<vmem>>, %arg5: memref<1x1024x128xf32, #tpu.memory_space<vmem>>, %arg6: memref<1x2048xf32, #tpu.memory_space<vmem>>) attributes {dimension_semantics = [#tpu.dimension_semantics<arbitrary>, #tpu.dimension_semantics<arbitrary>], iteration_bounds = array<i64: 2, 2>, scalar_prefetch = 0 : i64, scratch_operands = 1 : i64, tpu.core_type = #tpu.core_type<tc>, window_params = [{transform_indices = @transform_0, window_bounds = array<i64: 1, 128, 1024>}, {transform_indices = @transform_1, window_bounds = array<i64: 1, 128, 2048>}, {transform_indices = @transform_2, window_bounds = array<i64: 3, 1, 1, 1, 1024>}, {transform_indices = @transform_3, window_bounds = array<i64: 1, 1024, 128>}]} {
    %get3A = arith.constant 0 : index
    %get3A_0 = arith.constant 0 : index
    %get3A_1 = arith.constant 0 : index
    %get3A_2 = vector.load %arg2[%get3A, %get3A_0, %get3A_1] : memref<1x128x1024xf32, #tpu.memory_space<vmem>>, vector<1x128x1024xf32>
    %get3A_3 = vector.shape_cast %get3A_2 : vector<1x128x1024xf32> to vector<128x1024xf32>
    %get3A_4 = arith.constant 0 : index
    %get3A_5 = arith.constant 0 : index
    %get3A_6 = arith.constant 0 : index
    %get3A_7 = vector.load %arg3[%get3A_4, %get3A_5, %get3A_6] : memref<1x128x2048xf32, #tpu.memory_space<vmem>>, vector<1x128x2048xf32>
    %get3A_8 = vector.shape_cast %get3A_7 : vector<1x128x2048xf32> to vector<128x2048xf32>
    %eq3A = arith.constant 0 : i32
    %eq3A_9 = arith.cmpi eq, %arg1, %eq3A : i32
    %convert_element_type3A = arith.extui %eq3A_9 : i1 to i32
    %cond3A = arith.constant 0 : i32
    %cond3A_10 = arith.cmpi ne, %convert_element_type3A, %cond3A : i32
    scf.if %cond3A_10 {
      %mul3A_111 = arith.mulf %get3A_8, %get3A_8 : vector<128x2048xf32>
      %reduce_sum3A_112 = arith.constant dense<0.000000e+00> : vector<2048xf32>
      %reduce_sum3A_113 = vector.multi_reduction <add>, %mul3A_111, %reduce_sum3A_112 [0] : vector<128x2048xf32> to vector<2048xf32>
      %broadcast_in_dim3A_114 = vector.shape_cast %reduce_sum3A_113 : vector<2048xf32> to vector<1x2048xf32>
      %swap3A_115 = arith.constant 0 : index
      %swap3A_116 = arith.constant 0 : index
      %swap3A_117 = vector.load %arg6[%swap3A_115, %swap3A_116] : memref<1x2048xf32, #tpu.memory_space<vmem>>, vector<1x2048xf32>
      tpu.vector_store %arg6[%swap3A_115, %swap3A_116], %broadcast_in_dim3A_114 {strides = array<i32>} : memref<1x2048xf32, #tpu.memory_space<vmem>>, vector<1x2048xf32>,
    } else {
    }
    %mul3A = arith.constant -2.000000e+00 : f32
    %mul3A_11 = vector.broadcast %mul3A : f32 to vector<128x1024xf32>
    %mul3A_12 = arith.mulf %mul3A_11, %get3A_3 : vector<128x1024xf32>
    %dot_general3A = arith.constant dense<0.000000e+00> : vector<1024x2048xf32>
    %dot_general3A_13 = tpu.matmul %mul3A_12, %get3A_8, %dot_general3A {dimension_numbers = #tpu.dot_dimension_numbers<[0], [0], [1], [1], [0, 1, 1, 1], [], []>, transpose_lhs_hint = false} : vector<128x1024xf32>, vector<128x2048xf32>, vector<1024x2048xf32> -> vector<1024x2048xf32>
    %mul3A_14 = arith.mulf %get3A_3, %get3A_3 : vector<128x1024xf32>
    %reduce_sum3A = arith.constant dense<0.000000e+00> : vector<1024xf32>
    %reduce_sum3A_15 = vector.multi_reduction <add>, %mul3A_14, %reduce_sum3A [0] : vector<128x1024xf32> to vector<1024xf32>
    %broadcast_in_dim3A = vector.shape_cast %reduce_sum3A_15 : vector<1024xf32> to vector<1x1024xf32>
    %transpose3A = tpu.transpose %broadcast_in_dim3A, [1, 0] : vector<1x1024xf32> -> vector<1024x1xf32>
    %get3A_16 = arith.constant 0 : index
    %get3A_17 = arith.constant 0 : index
    %get3A_18 = vector.load %arg6[%get3A_16, %get3A_17] : memref<1x2048xf32, #tpu.memory_space<vmem>>, vector<1x2048xf32>
    %add3A = vector.broadcast %transpose3A : vector<1024x1xf32> to vector<1024x2048xf32>
    %add3A_19 = vector.broadcast %get3A_18 : vector<1x2048xf32> to vector<1024x2048xf32>
    %add3A_20 = arith.addf %add3A, %add3A_19 : vector<1024x2048xf32>
    %add3A_21 = arith.addf %add3A_20, %dot_general3A_13 : vector<1024x2048xf32>
    %mul3A_22 = arith.constant 2048 : i32
    %mul3A_23 = arith.muli %arg0, %mul3A_22 : i32
    %iota3A = tpu.iota {dimensions = array<i32: 1>} : vector<1024x2048xi32>
    %convert_element_type3A_24 = arith.sitofp %iota3A : vector<1024x2048xi32> to vector<1024x2048xf32>
    %reduce_min3A = arith.constant dense<0x7F800000> : vector<1024xf32>
    %reduce_min3A_25 = vector.multi_reduction <minimumf>, %add3A_21, %reduce_min3A [1] : vector<1024x2048xf32> to vector<1024xf32>
    %broadcast_in_dim3A_26 = vector.shape_cast %reduce_min3A_25 : vector<1024xf32> to vector<1024x1xf32>
    %eq3A_27 = vector.broadcast %broadcast_in_dim3A_26 : vector<1024x1xf32> to vector<1024x2048xf32>
    %eq3A_28 = arith.cmpf oeq, %add3A_21, %eq3A_27 : vector<1024x2048xf32>
    %jit3A = arith.constant 1.000000e+30 : f32
    %broadcast_in_dim3A_29 = vector.broadcast %jit3A : f32 to vector<1024x2048xf32>
    %select_n3A = arith.select %eq3A_28, %convert_element_type3A_24, %broadcast_in_dim3A_29 : vector<1024x2048xi1>, vector<1024x2048xf32>
    %reduce_min3A_30 = arith.constant dense<0x7F800000> : vector<1024xf32>
    %reduce_min3A_31 = vector.multi_reduction <minimumf>, %select_n3A, %reduce_min3A_30 [1] : vector<1024x2048xf32> to vector<1024xf32>
    %broadcast_in_dim3A_32 = vector.shape_cast %reduce_min3A_31 : vector<1024xf32> to vector<1024x1xf32>
    %convert_element_type3A_33 = arith.fptosi %broadcast_in_dim3A_32 : vector<1024x1xf32> to vector<1024x1xi32>
    %transpose3A_34 = tpu.transpose %convert_element_type3A_33, [1, 0] : vector<1024x1xi32> -> vector<1x1024xi32>
    %add3A_35 = vector.broadcast %mul3A_23 : i32 to vector<1x1024xi32>
    %add3A_36 = arith.addi %transpose3A_34, %add3A_35 : vector<1x1024xi32>
    %swap3A = arith.constant 0 : index
    %swap3A_37 = arith.constant 0 : index
    %swap3A_38 = arith.constant 0 : index
    %swap3A_39 = arith.constant 0 : index
    %swap3A_40 = arith.constant 0 : index
    %swap3A_41 = vector.load %arg4[%swap3A, %swap3A_37, %swap3A_38, %swap3A_39, %swap3A_40] : memref<3x1x1x1x1024xi32, #tpu.memory_space<vmem>>, vector<1x1x1x1x1024xi32>
    %swap3A_42 = vector.shape_cast %swap3A_41 : vector<1x1x1x1x1024xi32> to vector<1x1024xi32>
    %swap3A_43 = vector.shape_cast %add3A_36 : vector<1x1024xi32> to vector<1x1x1x1x1024xi32>
    tpu.vector_store %arg4[%swap3A, %swap3A_37, %swap3A_38, %swap3A_39, %swap3A_40], %swap3A_43 {strides = array<i32>} : memref<3x1x1x1x1024xi32, #tpu.memory_space<vmem>>, vector<1x1x1x1x1024xi32>,
    %eq3A_44 = vector.broadcast %broadcast_in_dim3A_32 : vector<1024x1xf32> to vector<1024x2048xf32>
    %eq3A_45 = arith.cmpf oeq, %select_n3A, %eq3A_44 : vector<1024x2048xf32>
    %jit3A_46 = arith.constant 1.000000e+30 : f32
    %broadcast_in_dim3A_47 = vector.broadcast %jit3A_46 : f32 to vector<1024x2048xf32>
    %select_n3A_48 = arith.select %eq3A_45, %broadcast_in_dim3A_47, %add3A_21 : vector<1024x2048xi1>, vector<1024x2048xf32>
    %iota3A_49 = tpu.iota {dimensions = array<i32: 1>} : vector<1024x2048xi32>
    %convert_element_type3A_50 = arith.sitofp %iota3A_49 : vector<1024x2048xi32> to vector<1024x2048xf32>
    %reduce_min3A_51 = arith.constant dense<0x7F800000> : vector<1024xf32>
    %reduce_min3A_52 = vector.multi_reduction <minimumf>, %select_n3A_48, %reduce_min3A_51 [1] : vector<1024x2048xf32> to vector<1024xf32>
    %broadcast_in_dim3A_53 = vector.shape_cast %reduce_min3A_52 : vector<1024xf32> to vector<1024x1xf32>
    %eq3A_54 = vector.broadcast %broadcast_in_dim3A_53 : vector<1024x1xf32> to vector<1024x2048xf32>
    %eq3A_55 = arith.cmpf oeq, %select_n3A_48, %eq3A_54 : vector<1024x2048xf32>
    %jit3A_56 = arith.constant 1.000000e+30 : f32
    %broadcast_in_dim3A_57 = vector.broadcast %jit3A_56 : f32 to vector<1024x2048xf32>
    %select_n3A_58 = arith.select %eq3A_55, %convert_element_type3A_50, %broadcast_in_dim3A_57 : vector<1024x2048xi1>, vector<1024x2048xf32>
    %reduce_min3A_59 = arith.constant dense<0x7F800000> : vector<1024xf32>
    %reduce_min3A_60 = vector.multi_reduction <minimumf>, %select_n3A_58, %reduce_min3A_59 [1] : vector<1024x2048xf32> to vector<1024xf32>
    %broadcast_in_dim3A_61 = vector.shape_cast %reduce_min3A_60 : vector<1024xf32> to vector<1024x1xf32>
    %convert_element_type3A_62 = arith.fptosi %broadcast_in_dim3A_61 : vector<1024x1xf32> to vector<1024x1xi32>
    %transpose3A_63 = tpu.transpose %convert_element_type3A_62, [1, 0] : vector<1024x1xi32> -> vector<1x1024xi32>
    %add3A_64 = vector.broadcast %mul3A_23 : i32 to vector<1x1024xi32>
    %add3A_65 = arith.addi %transpose3A_63, %add3A_64 : vector<1x1024xi32>
    %swap3A_66 = arith.constant 1 : index
    %swap3A_67 = arith.constant 0 : index
    %swap3A_68 = arith.constant 0 : index
    %swap3A_69 = arith.constant 0 : index
    %swap3A_70 = arith.constant 0 : index
    %swap3A_71 = vector.load %arg4[%swap3A_66, %swap3A_67, %swap3A_68, %swap3A_69, %swap3A_70] : memref<3x1x1x1x1024xi32, #tpu.memory_space<vmem>>, vector<1x1x1x1x1024xi32>
    %swap3A_72 = vector.shape_cast %swap3A_71 : vector<1x1x1x1x1024xi32> to vector<1x1024xi32>
    %swap3A_73 = vector.shape_cast %add3A_65 : vector<1x1024xi32> to vector<1x1x1x1x1024xi32>
    tpu.vector_store %arg4[%swap3A_66, %swap3A_67, %swap3A_68, %swap3A_69, %swap3A_70], %swap3A_73 {strides = array<i32>} : memref<3x1x1x1x1024xi32, #tpu.memory_space<vmem>>, vector<1x1x1x1x1024xi32>,
    %eq3A_74 = vector.broadcast %broadcast_in_dim3A_61 : vector<1024x1xf32> to vector<1024x2048xf32>
    %eq3A_75 = arith.cmpf oeq, %select_n3A_58, %eq3A_74 : vector<1024x2048xf32>
    %jit3A_76 = arith.constant 1.000000e+30 : f32
    %broadcast_in_dim3A_77 = vector.broadcast %jit3A_76 : f32 to vector<1024x2048xf32>
    %select_n3A_78 = arith.select %eq3A_75, %broadcast_in_dim3A_77, %select_n3A_48 : vector<1024x2048xi1>, vector<1024x2048xf32>
    %iota3A_79 = tpu.iota {dimensions = array<i32: 1>} : vector<1024x2048xi32>
    %convert_element_type3A_80 = arith.sitofp %iota3A_79 : vector<1024x2048xi32> to vector<1024x2048xf32>
    %reduce_min3A_81 = arith.constant dense<0x7F800000> : vector<1024xf32>
    %reduce_min3A_82 = vector.multi_reduction <minimumf>, %select_n3A_78, %reduce_min3A_81 [1] : vector<1024x2048xf32> to vector<1024xf32>
    %broadcast_in_dim3A_83 = vector.shape_cast %reduce_min3A_82 : vector<1024xf32> to vector<1024x1xf32>
    %eq3A_84 = vector.broadcast %broadcast_in_dim3A_83 : vector<1024x1xf32> to vector<1024x2048xf32>
    %eq3A_85 = arith.cmpf oeq, %select_n3A_78, %eq3A_84 : vector<1024x2048xf32>
    %jit3A_86 = arith.constant 1.000000e+30 : f32
    %broadcast_in_dim3A_87 = vector.broadcast %jit3A_86 : f32 to vector<1024x2048xf32>
    %select_n3A_88 = arith.select %eq3A_85, %convert_element_type3A_80, %broadcast_in_dim3A_87 : vector<1024x2048xi1>, vector<1024x2048xf32>
    %reduce_min3A_89 = arith.constant dense<0x7F800000> : vector<1024xf32>
    %reduce_min3A_90 = vector.multi_reduction <minimumf>, %select_n3A_88, %reduce_min3A_89 [1] : vector<1024x2048xf32> to vector<1024xf32>
    %broadcast_in_dim3A_91 = vector.shape_cast %reduce_min3A_90 : vector<1024xf32> to vector<1024x1xf32>
    %convert_element_type3A_92 = arith.fptosi %broadcast_in_dim3A_91 : vector<1024x1xf32> to vector<1024x1xi32>
    %transpose3A_93 = tpu.transpose %convert_element_type3A_92, [1, 0] : vector<1024x1xi32> -> vector<1x1024xi32>
    %add3A_94 = vector.broadcast %mul3A_23 : i32 to vector<1x1024xi32>
    %add3A_95 = arith.addi %transpose3A_93, %add3A_94 : vector<1x1024xi32>
    %swap3A_96 = arith.constant 2 : index
    %swap3A_97 = arith.constant 0 : index
    %swap3A_98 = arith.constant 0 : index
    %swap3A_99 = arith.constant 0 : index
    %swap3A_100 = arith.constant 0 : index
    %swap3A_101 = vector.load %arg4[%swap3A_96, %swap3A_97, %swap3A_98, %swap3A_99, %swap3A_100] : memref<3x1x1x1x1024xi32, #tpu.memory_space<vmem>>, vector<1x1x1x1x1024xi32>
    %swap3A_102 = vector.shape_cast %swap3A_101 : vector<1x1x1x1x1024xi32> to vector<1x1024xi32>
    %swap3A_103 = vector.shape_cast %add3A_95 : vector<1x1024xi32> to vector<1x1x1x1x1024xi32>
    tpu.vector_store %arg4[%swap3A_96, %swap3A_97, %swap3A_98, %swap3A_99, %swap3A_100], %swap3A_103 {strides = array<i32>} : memref<3x1x1x1x1024xi32, #tpu.memory_space<vmem>>, vector<1x1x1x1x1024xi32>,
    %transpose3A_104 = tpu.transpose %get3A_3, [1, 0] : vector<128x1024xf32> -> vector<1024x128xf32>
    %swap3A_105 = arith.constant 0 : index
    %swap3A_106 = arith.constant 0 : index
    %swap3A_107 = arith.constant 0 : index
    %swap3A_108 = vector.load %arg5[%swap3A_105, %swap3A_106, %swap3A_107] : memref<1x1024x128xf32, #tpu.memory_space<vmem>>, vector<1x1024x128xf32>
    %swap3A_109 = vector.shape_cast %swap3A_108 : vector<1x1024x128xf32> to vector<1024x128xf32>
    %swap3A_110 = vector.shape_cast %transpose3A_104 : vector<1024x128xf32> to vector<1x1024x128xf32>
    tpu.vector_store %arg5[%swap3A_105, %swap3A_106, %swap3A_107], %swap3A_110 {strides = array<i32>} : memref<1x1024x128xf32, #tpu.memory_space<vmem>>, vector<1x1024x128xf32>,
    return
  }
  func.func @transform_0(%arg0: i32, %arg1: i32) -> (i32, i32, i32) {
    %add3A = arith.constant 2 : i32
    %add3A_0 = arith.addi %add3A, %arg0 : i32
    %c0_i32 = arith.constant 0 : i32
    %c0_i32_1 = arith.constant 0 : i32
    return %add3A_0, %c0_i32, %arg1 : i32, i32, i32
  }
  func.func @transform_1(%arg0: i32, %arg1: i32) -> (i32, i32, i32) {
    %add3A = arith.constant 2 : i32
    %add3A_0 = arith.addi %add3A, %arg0 : i32
    %c0_i32 = arith.constant 0 : i32
    %c0_i32_1 = arith.constant 0 : i32
    %c0_i32_2 = arith.constant 0 : i32
    return %add3A_0, %c0_i32, %c0_i32_1 : i32, i32, i32
  }
  func.func @transform_2(%arg0: i32, %arg1: i32) -> (i32, i32, i32, i32, i32) {
    %c0_i32 = arith.constant 0 : i32
    %c0_i32_0 = arith.constant 0 : i32
    %c0_i32_1 = arith.constant 0 : i32
    %c0_i32_2 = arith.constant 0 : i32
    return %c0_i32, %arg0, %arg1, %c0_i32_0, %c0_i32_1 : i32, i32, i32, i32, i32
  }
  func.func @transform_3(%arg0: i32, %arg1: i32) -> (i32, i32, i32) {
    %c0_i32 = arith.constant 0 : i32
    %c0_i32_0 = arith.constant 0 : i32
    return %arg0, %arg1, %c0_i32 : i32, i32, i32
  }
}

module attributes {stable_mosaic.version = 14 : i64} {
  func.func @_conv_body_next(%arg0: i32, %arg1: i32, %arg2: memref<3x1x1024x128xf32, #tpu.memory_space<vmem>>, %arg3: memref<3x128x128xf32, #tpu.memory_space<vmem>>, %arg4: memref<1x128xf32, #tpu.memory_space<vmem>>, %arg5: memref<4x128x2048xf32, #tpu.memory_space<any>>, %arg6: memref<1x128x1024xf32, #tpu.memory_space<vmem>>) attributes {dimension_semantics = [#tpu.dimension_semantics<arbitrary>, #tpu.dimension_semantics<arbitrary>], iteration_bounds = array<i64: 2, 2>, scalar_prefetch = 0 : i64, scratch_operands = 0 : i64, tpu.core_type = #tpu.core_type<tc>, window_params = [{transform_indices = @transform_0, window_bounds = array<i64: 3, 1, 1024, 128>}, {pipeline_mode = #tpu.pipeline_mode<synchronous>, transform_indices = @transform_1, window_bounds = array<i64: 3, 128, 128>}, {pipeline_mode = #tpu.pipeline_mode<synchronous>, transform_indices = @transform_2, window_bounds = array<i64: 1, 128>}, {}, {transform_indices = @transform_4, window_bounds = array<i64: 1, 128, 1024>}]} {
    %get3A = arith.constant 0 : index
    %get3A_0 = arith.constant 0 : index
    %get3A_1 = vector.load %arg4[%get3A, %get3A_0] : memref<1x128xf32, #tpu.memory_space<vmem>>, vector<1x128xf32>
    %transpose3A = tpu.transpose %get3A_1, [1, 0] : vector<1x128xf32> -> vector<128x1xf32>
    %broadcast_in_dim3A = vector.shape_cast %transpose3A : vector<128x1xf32> to vector<128x1xf32>
    %broadcast_in_dim3A_2 = vector.broadcast %broadcast_in_dim3A : vector<128x1xf32> to vector<128x1024xf32>
    %get3A_3 = arith.constant 0 : index
    %get3A_4 = arith.constant 0 : index
    %get3A_5 = arith.constant 0 : index
    %get3A_6 = vector.load %arg3[%get3A_3, %get3A_4, %get3A_5] : memref<3x128x128xf32, #tpu.memory_space<vmem>>, vector<1x128x128xf32>
    %get3A_7 = vector.shape_cast %get3A_6 : vector<1x128x128xf32> to vector<128x128xf32>
    %get3A_8 = arith.constant 0 : index
    %get3A_9 = arith.constant 0 : index
    %get3A_10 = arith.constant 0 : index
    %get3A_11 = arith.constant 0 : index
    %get3A_12 = vector.load %arg2[%get3A_8, %get3A_9, %get3A_10, %get3A_11] : memref<3x1x1024x128xf32, #tpu.memory_space<vmem>>, vector<1x1x1024x128xf32>
    %get3A_13 = vector.shape_cast %get3A_12 : vector<1x1x1024x128xf32> to vector<1024x128xf32>
    %dot_general3A = arith.constant dense<0.000000e+00> : vector<128x1024xf32>
    %dot_general3A_14 = tpu.matmul %get3A_7, %get3A_13, %dot_general3A {dimension_numbers = #tpu.dot_dimension_numbers<[1], [1], [0], [0], [0, 0, 1, 0], [], []>, transpose_lhs_hint = false} : vector<128x128xf32>, vector<1024x128xf32>, vector<128x1024xf32> -> vector<128x1024xf32>
    %add3A = arith.addf %broadcast_in_dim3A_2, %dot_general3A_14 : vector<128x1024xf32>
    %get3A_15 = arith.constant 1 : index
    %get3A_16 = arith.constant 0 : index
    %get3A_17 = arith.constant 0 : index
    %get3A_18 = vector.load %arg3[%get3A_15, %get3A_16, %get3A_17] : memref<3x128x128xf32, #tpu.memory_space<vmem>>, vector<1x128x128xf32>
    %get3A_19 = vector.shape_cast %get3A_18 : vector<1x128x128xf32> to vector<128x128xf32>
    %get3A_20 = arith.constant 1 : index
    %get3A_21 = arith.constant 0 : index
    %get3A_22 = arith.constant 0 : index
    %get3A_23 = arith.constant 0 : index
    %get3A_24 = vector.load %arg2[%get3A_20, %get3A_21, %get3A_22, %get3A_23] : memref<3x1x1024x128xf32, #tpu.memory_space<vmem>>, vector<1x1x1024x128xf32>
    %get3A_25 = vector.shape_cast %get3A_24 : vector<1x1x1024x128xf32> to vector<1024x128xf32>
    %dot_general3A_26 = arith.constant dense<0.000000e+00> : vector<128x1024xf32>
    %dot_general3A_27 = tpu.matmul %get3A_19, %get3A_25, %dot_general3A_26 {dimension_numbers = #tpu.dot_dimension_numbers<[1], [1], [0], [0], [0, 0, 1, 0], [], []>, transpose_lhs_hint = false} : vector<128x128xf32>, vector<1024x128xf32>, vector<128x1024xf32> -> vector<128x1024xf32>
    %add3A_28 = arith.addf %add3A, %dot_general3A_27 : vector<128x1024xf32>
    %get3A_29 = arith.constant 2 : index
    %get3A_30 = arith.constant 0 : index
    %get3A_31 = arith.constant 0 : index
    %get3A_32 = vector.load %arg3[%get3A_29, %get3A_30, %get3A_31] : memref<3x128x128xf32, #tpu.memory_space<vmem>>, vector<1x128x128xf32>
    %get3A_33 = vector.shape_cast %get3A_32 : vector<1x128x128xf32> to vector<128x128xf32>
    %get3A_34 = arith.constant 2 : index
    %get3A_35 = arith.constant 0 : index
    %get3A_36 = arith.constant 0 : index
    %get3A_37 = arith.constant 0 : index
    %get3A_38 = vector.load %arg2[%get3A_34, %get3A_35, %get3A_36, %get3A_37] : memref<3x1x1024x128xf32, #tpu.memory_space<vmem>>, vector<1x1x1024x128xf32>
    %get3A_39 = vector.shape_cast %get3A_38 : vector<1x1x1024x128xf32> to vector<1024x128xf32>
    %dot_general3A_40 = arith.constant dense<0.000000e+00> : vector<128x1024xf32>
    %dot_general3A_41 = tpu.matmul %get3A_33, %get3A_39, %dot_general3A_40 {dimension_numbers = #tpu.dot_dimension_numbers<[1], [1], [0], [0], [0, 0, 1, 0], [], []>, transpose_lhs_hint = false} : vector<128x128xf32>, vector<1024x128xf32>, vector<128x1024xf32> -> vector<128x1024xf32>
    %add3A_42 = arith.addf %add3A_28, %dot_general3A_41 : vector<128x1024xf32>
    %swap3A = arith.constant 0 : index
    %swap3A_43 = arith.constant 0 : index
    %swap3A_44 = arith.constant 0 : index
    %swap3A_45 = vector.load %arg6[%swap3A, %swap3A_43, %swap3A_44] : memref<1x128x1024xf32, #tpu.memory_space<vmem>>, vector<1x128x1024xf32>
    %swap3A_46 = vector.shape_cast %swap3A_45 : vector<1x128x1024xf32> to vector<128x1024xf32>
    %swap3A_47 = vector.shape_cast %add3A_42 : vector<128x1024xf32> to vector<1x128x1024xf32>
    tpu.vector_store %arg6[%swap3A, %swap3A_43, %swap3A_44], %swap3A_47 {strides = array<i32>} : memref<1x128x1024xf32, #tpu.memory_space<vmem>>, vector<1x128x1024xf32>,
    return
  }
  func.func @transform_0(%arg0: i32, %arg1: i32) -> (i32, i32, i32, i32) {
    %c0_i32 = arith.constant 0 : i32
    %c0_i32_0 = arith.constant 0 : i32
    %c0_i32_1 = arith.constant 0 : i32
    return %c0_i32, %arg0, %arg1, %c0_i32_0 : i32, i32, i32, i32
  }
  func.func @transform_1(%arg0: i32, %arg1: i32) -> (i32, i32, i32) {
    %c0_i32 = arith.constant 0 : i32
    %c0_i32_0 = arith.constant 0 : i32
    %c0_i32_1 = arith.constant 0 : i32
    %c0_i32_2 = arith.constant 0 : i32
    return %c0_i32, %c0_i32_0, %c0_i32_1 : i32, i32, i32
  }
  func.func @transform_2(%arg0: i32, %arg1: i32) -> (i32, i32) {
    %c0_i32 = arith.constant 0 : i32
    %c0_i32_0 = arith.constant 0 : i32
    %c0_i32_1 = arith.constant 0 : i32
    return %c0_i32, %c0_i32_0 : i32, i32
  }
  func.func @transform_4(%arg0: i32, %arg1: i32) -> (i32, i32, i32) {
    %add3A = arith.constant 2 : i32
    %add3A_0 = arith.addi %add3A, %arg0 : i32
    %c0_i32 = arith.constant 0 : i32
    %c0_i32_1 = arith.constant 0 : i32
    return %add3A_0, %c0_i32, %arg1 : i32, i32, i32
  }
}

</mosaic_0001>

<sc_bundles>
// kernel: kernel.11.cloned.1.call-start
scs
__scs_entry_jumppad:
0x0: {  	(pc) =	sbr.rel $0x88, $3  }
0x1: {  	(tag) =	ssettag $0x0;
	lr =	simm.s32 $0x1  }
0x2: {  	[smem:$0x3F9E] =	sst lr;
	_ =	strace $0xD0000000  }
0x3: {  	_ = 	snop  }
0x4: {  	_ = 	snop  }
0x5: {  	_ = 	snop  }
0x6: {  	_ = 	snop  }
0x7: {  	_ = 	snop  }
__scs_overlays_trampoline_lowered:
0x8: {  	[smem:$0x3FAD] =	sst s0  }
0x9: {  	[smem:$0x3FAE] =	sst s1  }
0xa: {  	[smem:$0x3FAF] =	sst s2  }
0xb: {  	[smem:$0x3FB0] =	sst s3  }
0xc: {  	[smem:$0x3FB1] =	sst s4  }
0xd: {  	[smem:$0x3FB2] =	sst s5  }
0xe: {  	[smem:$0x3FB3] =	sst s6  }
0xf: {  	[smem:$0x3FB4] =	sst s7  }
0x10: {  	[smem:$0x3FB5] =	sst s8  }
0x11: {  	[smem:$0x3FB6] =	sst s9;
	s0 =	simm.s32 @!p0 $0x0  }
0x12: {  	s1 =	sld [smem:$0x3F9C];
	s0 =	simm.s32 @p0 $0x1  }
0x13: {  	[smem:$0x3FB7] =	sst s0;
	s0 =	simm.s32 @!p1 $0x0  }
0x14: {  	s2 =	sld [smem:$0x3F9B];
	s0 =	simm.s32 @p1 $0x1  }
0x15: {  	[smem:$0x3FB8] =	sst s0;
	s0 =	simm.s32 @!p2 $0x0  }
0x16: {  	s3 =	sld [smem:$0x3FDB];
	s0 =	simm.s32 @p2 $0x1  }
0x17: {  	s4 =	simm.s32 $0x1BF5;
	[smem:$0x3FBA] =	sst s0  }
0x18: {  	s0 =	sld [smem:$0x3F9D];
	_ =	swait.ge [sflag:s4], $0x0  }
0x19: {  	s7 =	sld [smem:$0x3F9E]  }
0x1a: {  	s8 =	sadd.s32 $0xFFFFE003, lr  }
0x1b: {  	s9 =	sadd.s32 $0xFFFFFEF7, lr;
	s5 =	simm.s32 $0xFFFFFFFF;
	p2 =	slt.u32 s8, $0xFFFFF086  }
0x1c: {  	p1 =	slt.u32 s9, $0xF7A;
	s5 =	simm.s32 @!p2 $0x0  }
0x1d: {  	s5 =	simm.s32 @p1 $0x1;
	p0 =	seq.s32 s7, s2  }
0x1e: {  	s7 =	smul.u32 @!p0 $0xF7A, s2;
	p2 =	seq.s32 @!p0 s5, $0x0  }
0x1f: {  	s9 =	smul.u32 $0xF7A, s1;
	s8 =	simm.s32 @!p0 $0x1BF5;
	p2 =	por !p2, p0  }
0x20: {  	[sflag:s8] =	ssyncset.s32 @!p0 $0xFFFFF086;
	s6 =	sadd.s32 @!p0 s3, s7;
	s7 =	simm.s32 @!p0 $0x108  }
0x21: {  	s3 =	sadd.s32 s3, s9;
	s6 =	sadd.s32 @!p0 $0x88, s6;
	s7 =	simm.s32 @p2 $0x1082  }
0x22: {  	[simem:s7], [sflag:s8] =	dma.local @!p0 [hbm:s6], $0xF7A  }
0x23: {  	s9 =	sor.u32 $0xD0000000, s2;
	s6 =	simm.s32 $0x108;
	_ =	swait.ge @!p0 [sflag:s8], $0x0  }
0x24: {  	s3 =	sadd.s32 $0x88, s3;
	s6 =	simm.s32 @!p1 $0x1082;
	[sflag:s4] =	ssyncset.s32 $0xFFFFF086  }
0x25: {  	[simem:s6], [sflag:s4] =	dma.local [hbm:s3], $0xF7A  }
0x26: {  	[smem:$0x3F9E] =	sst s1;
	(tag) =	ssettag s2;
	_ =	strace s9  }
0x27: {  	s1 =	sld [smem:$0x3FAE]  }
0x28: {  	s2 =	sld [smem:$0x3FAF]  }
0x29: {  	s4 =	sld [smem:$0x3FB1]  }
0x2a: {  	p0 =	seq.s32 s5, $0x0;
	s5 =	sld [smem:$0x3FB2]  }
0x2b: {  	s6 =	sld [smem:$0x3FB3]  }
0x2c: {  	s7 =	sld [smem:$0x3FB4]  }
0x2d: {  	s3 =	simm.s32 $0x108;
	s8 =	sld [smem:$0x3FB5]  }
0x2e: {  	s3 =	simm.s32 @!p0 $0x1082;
	s9 =	sld [smem:$0x3FB6]  }
0x2f: {  	lr =	sadd.s32 s0, s3;
	s0 =	sld [smem:$0x3FAD]  }
0x30: {  	s3 =	sld [smem:$0x3FB0]  }
0x31: {  	[smem:$0x3FB9] =	sst s10  }
0x32: {  	s10 =	sld [smem:$0x3FB7];
	_ =	sdelay $0x3  }
0x33: {  	p0 =	seq.s32 s10, $0x1;
	s10 =	sld [smem:$0x3FB9];
	_ =	sdelay $0x3  }
0x34: {  	[smem:$0x3FB9] =	sst s10  }
0x35: {  	s10 =	sld [smem:$0x3FB8];
	_ =	sdelay $0x3  }
0x36: {  	p1 =	seq.s32 s10, $0x1;
	s10 =	sld [smem:$0x3FB9];
	_ =	sdelay $0x3  }
0x37: {  	[smem:$0x3FB9] =	sst s10  }
0x38: {  	s10 =	sld [smem:$0x3FBA]  }
0x39: {  	_ = 	snop;
	(pc) =	sbr.ind lr, $3  }
0x3a: {  	_ = 	snop  }
0x3b: {  	_ = 	snop  }
0x3c: {  	p2 =	seq.s32 s10, $0x1;
	s10 =	sld [smem:$0x3FB9]  }
0x3d: {  	_ =	shalt  }
0x3e: {  	_ =	shalt  }
0x3f: {  	_ =	shalt  }
0x40: {  	_ =	shalt  }
0x41: {  	_ =	shalt  }
0x42: {  	_ =	shalt  }
0x43: {  	_ =	shalt  }
0x44: {  	_ =	shalt  }
0x45: {  	_ =	shalt  }
0x46: {  	_ =	shalt  }
0x47: {  	_ =	shalt  }
0x48: {  	_ =	shalt  }
0x49: {  	_ =	shalt  }
0x4a: {  	_ =	shalt  }
0x4b: {  	_ =	shalt  }
0x4c: {  	_ =	shalt  }
0x4d: {  	_ =	shalt  }
0x4e: {  	_ =	shalt  }
0x4f: {  	_ =	shalt  }
0x50: {  	_ =	shalt  }
0x51: {  	_ =	shalt  }
0x52: {  	_ =	shalt  }
0x53: {  	_ =	shalt  }
0x54: {  	_ =	shalt  }
0x55: {  	_ =	shalt  }
0x56: {  	_ =	shalt  }
0x57: {  	_ =	shalt  }
0x58: {  	_ =	shalt  }
0x59: {  	_ =	shalt  }
0x5a: {  	_ =	shalt  }
0x5b: {  	_ =	shalt  }
0x5c: {  	_ =	shalt  }
0x5d: {  	_ =	shalt  }
0x5e: {  	_ =	shalt  }
0x5f: {  	_ =	shalt  }
0x60: {  	_ =	shalt  }
0x61: {  	_ =	shalt  }
0x62: {  	_ =	shalt  }
0x63: {  	_ =	shalt  }
0x64: {  	_ =	shalt  }
0x65: {  	_ =	shalt  }
0x66: {  	_ =	shalt  }
0x67: {  	_ =	shalt  }
0x68: {  	_ =	shalt  }
0x69: {  	_ =	shalt  }
0x6a: {  	_ =	shalt  }
0x6b: {  	_ =	shalt  }
0x6c: {  	_ =	shalt  }
0x6d: {  	_ =	shalt  }
0x6e: {  	_ =	shalt  }
0x6f: {  	_ =	shalt  }
0x70: {  	_ =	shalt  }
0x71: {  	_ =	shalt  }
0x72: {  	_ =	shalt  }
0x73: {  	_ =	shalt  }
0x74: {  	_ =	shalt  }
0x75: {  	_ =	shalt  }
0x76: {  	_ =	shalt  }
0x77: {  	_ =	shalt  }
0x78: {  	_ =	shalt  }
0x79: {  	_ =	shalt  }
0x7a: {  	_ =	shalt  }
0x7b: {  	_ =	shalt  }
0x7c: {  	_ =	shalt  }
0x7d: {  	_ =	shalt  }
0x7e: {  	_ =	shalt  }
0x7f: {  	_ =	shalt  }
0x80: {  	_ =	shalt  }
0x81: {  	_ =	shalt  }
0x82: {  	_ =	shalt  }
0x83: {  	_ =	shalt  }
0x84: {  	_ =	shalt  }
0x85: {  	_ =	shalt  }
0x86: {  	_ =	shalt  }
0x87: {  	_ =	shalt  }
.Lfunc_end0:
.L_simem_size_0:
called_computation.1_lowered:
.L_overlay_start_0:
0x88: {  	s2 =	sld [smem:$0x3FD9]  }
0x89: {  	s3 =	sld [smem:$0x3FFE];
	_ =	sdelay $0x1  }
0x8a: {  	s1 =	srdreg.scid  }
0x8b: {  	s0 =	sand.u32 $0x1, s1  }
0x8c: {  	s17 =	sshll.u32 s0, $0xA;
	s2 =	sadd.s32 s3, s2  }
0x8d: {  	s2 =	sadd.s32 s2, s17  }
0x8e: {  	[smem:$0x3FC5] =	sst s2  }
0x8f: {  	_ = 	snop  }
0x90: {  	(tm) =	ssettm $0x1  }
0x91: {  	s18 =	sld [smem:$0x3FFB];
	_ =	sdelay $0x3  }
0x92: {  	_ =	strace s18  }
0x93: {  	s2 =	sld [smem:$0x3FFC];
	_ =	sdelay $0x3  }
0x94: {  	_ =	strace s2  }
0x95: {  	s2 =	sld [smem:$0x3FFD];
	_ =	sdelay $0x3  }
0x96: {  	_ =	strace s2  }
0x97: {  	_ =	strace $0x8FFFFFFF  }
0x98: {  	s19 =	sld [smem:$0x3FDB];
	_ =	sdelay $0x1  }
0x99: {  	s20 =	simm.s32 $_scs_section_size  }
0x9a: {  	s4 =	simm.s32 $_size__tile_overlayer_lowered;
	s5 =	simm.s32 $_tile_overlayer_lowered  }
0x9b: {  	s6 =	simm.s32 $0x1BFF;
	s21 =	sshll.u32 s5, $0x1;
	s3 =	sadd.s32 s20, s19  }
0x9c: {  	s22 =	simm.s32 $0x0;
	s4 =	sshll.u32 s4, $0x1;
	s5 =	sadd.s32 s21, s3  }
0x9d: {  	[timem:s22], [sflag:s6] =	dma.local [hbm:s5], s4  }
0x9e: {  	_ =	swait.ge [sflag:s6], s4  }
0x9f: {  	s4 =	ssub.s32 $0x0, s4;
	[sflag:s6] =	ssyncset.done $0x0  }
0xa0: {  	[sflag:s6] =	ssyncadd.s32 s4;
	_ =	sdelay $0x1  }
0xa1: {  	s23 =	simm.s32 $0x1B8B  }
0xa2: {  	_ =	swait.ge [sflag:s23], $0x1  }
0xa3: {  	[sflag:s23] =	ssyncset.done $0x0  }
0xa4: {  	[sflag:s23] =	ssyncadd.s32 $0xFFFFFFFF  }
0xa5: {  	s4 =	sld [smem:$0x0]  }
0xa6: {  	s5 =	sand.u32 $0xFFFFFFFE, s1  }
0xa7: {  	p0 =	sne.s32 s1, s5  }
0xa8: {  	s5 =	sshll.u32 @p0 s5, $0xE  }
0xa9: {  	s5 =	sadd.s32 @p0 $0x11B8D, s5;
	s6 =	sshll.u32 @p0 s4, $0x11  }
0xaa: {  	s5 =	sor.u32 @p0 s6, s5  }
0xab: {  	[sflag:s5] =	ssyncadd.remote.s32 @p0 $0x1;
	_ =	sdelay $0x1  }
0xac: {  	s5 =	simm.s32 @p0 $0x1B8D  }
0xad: {  	_ =	swait.eq @p0 [sflag:s5], $0x1  }
0xae: {  	[sflag:s5] =	ssyncadd.s32 @p0 $0xFFFFFFFF  }
0xaf: {  	s6 =	sshll.u32 @!p0 s1, $0xE  }
0xb0: {  	s6 =	sor.u32 @!p0 $0x4000, s6;
	s5 =	simm.s32 @!p0 $0x1B8D  }
0xb1: {  	s4 =	sshll.u32 @!p0 s4, $0x11;
	s6 =	sadd.s32 @!p0 $0x11B8D, s6;
	_ =	swait.eq @!p0 [sflag:s5], $0x1  }
0xb2: {  	s4 =	sor.u32 @!p0 s4, s6;
	[sflag:s5] =	ssyncadd.s32 @!p0 $0xFFFFFFFF  }
0xb3: {  	s25 =	simm.s32 $0x1B8E;
	s24 =	sld [smem:$0x3FFE];
	[sflag:s4] =	ssyncadd.remote.s32 @!p0 $0x1  }
0xb4: {  	s26 =	simm.s32 $execute0_lowered;
	[smem:$0x3FD2] =	sst s25  }
0xb5: {  	s5 =	sshll.u32 s26, $0x1;
	_ =	strace $0x80000049;
	[dreg:$0x1] =	wrdreg $0xFFFFFFFF  }
0xb6: {  	s28 =	simm.s32 $_size_execute0_lowered;
	s3 =	sadd.s32 s3, s5;
	[dreg:$0x0] =	wrdreg $0x0  }
0xb7: {  	s5 =	sshll.u32 s28, $0x1;
	[dreg:$0x2] =	wrdreg s3  }
0xb8: {  	[dreg:$0x3] =	wrdreg s5  }
0xb9: {  	[dreg:$0x4] =	wrdreg $0xC0  }
0xba: {  	_ =	task [dreg:s22], $0x5FFFF  }
0xbb: {  	[dreg:$0x1] =	wrdreg $0xFFFFFFFF  }
0xbc: {  	[dreg:$0x0] =	wrdreg $0x60  }
0xbd: {  	[dreg:$0x2] =	wrdreg s24  }
0xbe: {  	[dreg:$0x3] =	wrdreg $0xA  }
0xbf: {  	_ =	task.clear_ibuf [dreg:s22], $0x4FFFF;
	_ =	strace $0x90000049  }
0xc0: {  	s29 =	simm.s32 $0xA;
	_ =	strace $0x8000004B  }
0xc1: {  	_ =	swait.ge [sflag:s29], $0x1  }
0xc2: {  	[sflag:s29] =	ssyncadd.s32 $0xFFFFFFFF  }
0xc3: {  	_ =	strace $0x9000004B  }
0xc4: {  	_ =	sfence  }
0xc5: {  	s30 =	sld [smem:$0x0];
	_ =	sdelay $0x2  }
0xc6: {  	s31 =	sshll.u32 s1, $0xD;
	s1 =	sshrl.u32 s1, $0x2  }
0xc7: {  	s4 =	sand.u32 $0x4000, s31;
	s1 =	sadd.s32 s1, s30  }
0xc8: {  	s0 =	sor.u32 s4, s0;
	s1 =	sshll.u32 s1, $0x11  }
0xc9: {  	s0 =	sor.u32 s1, s0  }
0xca: {  	s0 =	sadd.s32 $0x8F2B, s0  }
0xcb: {  	[sflag:s0] =	ssyncadd.remote.s32 $0x1  }
0xcc: {  	_ =	sfence.sel $0xFFFF  }
0xcd: {  	[dreg:$0x0] =	wrdreg $0xFFFFFFFF;
	(pc) =	sbr.abs _section_cstart, $3  }
0xce: {  	[dreg:$0x1] =	wrdreg $0xFFFFFFFF  }
0xcf: {  	_ =	task.clear_ibuf [dreg:s22], $0x2FFFF;
	_ =	strace $0x9FFFFFFF  }
0xd0: {  	(tm) =	ssettm $0x7FFFFFFF  }
0xd1: {  	_ =	shalt  }
tec
execute0_lowered:
.L_overlay_start_1:
0x0: {  	(tag) =	ssettag $0x1  }
0x1: {  	s1 =	srdreg.scid;
	s0 =	stileid.u32  }
0x2: {  	s18 =	sand.u32 $0x1, s1;
	s31 =	sshll.u32 s0, $0x1  }
0x3: {  	s15 =	sor.u32 s18, s31  }
0x4: {  	s14 =	rddreg [dreg:$0x0];
	s2 =	simm.s32 $0x0;
	s3 =	sshll.u32 s15, $0x4  }
0x5: {  	s4 =	simm.s32 $0x3;
	[smem:$0x7FF] =	sst s2;
	s7 =	sadd.s32 s3, s14  }
0x6: {  	s1 =	rddreg [dreg:$0x1];
	_ =	strace $0x8000004A;
	s3 =	sadd.s32 $0x42400, s7  }
0x7: {  	[tilespmem:s2], [sflag:$0x3] =	stream.linear.gather [hbm4b:s3+s2], $0x80, $0x38;
	[tilespmem:$0xC180] =	vst v63  }
0x8: {  	_ =	swait.ge [sflag:s4], $0x80  }
0x9: {  	[sflag:s4] =	ssyncset.done $0x0  }
0xa: {  	s6 =	simm.s32 $0x80;
	s5 =	sadd.s32 $0x42600, s7;
	[sflag:s4] =	ssyncadd.s32 $0xFFFFFF80  }
0xb: {  	[tilespmem:s6], [sflag:$0x3] =	stream.linear.gather [hbm4b:s5+s2], $0x80, $0x38;
	[tilespmem:$0xC180] =	vst v63  }
0xc: {  	_ =	swait.ge [sflag:s4], $0x80  }
0xd: {  	[sflag:s4] =	ssyncset.done $0x0  }
0xe: {  	s8 =	simm.s32 $0x100;
	s7 =	sadd.s32 $0x42800, s7;
	[sflag:s4] =	ssyncadd.s32 $0xFFFFFF80  }
0xf: {  	[tilespmem:s8], [sflag:$0x3] =	stream.linear.gather [hbm4b:s7+s2], $0x80, $0x38;
	[tilespmem:$0xC180] =	vst v63  }
0x10: {  	_ =	swait.ge [sflag:s4], $0x80  }
0x11: {  	[sflag:s4] =	ssyncset.done $0x0  }
0x12: {  	s10 =	simm.s32 $0x180;
	s9 =	sadd.s32 $0x32400, s14;
	[sflag:s4] =	ssyncadd.s32 $0xFFFFFF80  }
0x13: {  	[tilespmem:s10], [sflag:$0x1] =	stream.indirect.gather [hbm4b:s9+s6], $0x80, s2, s6, $0xb8;
	[tilespmem:$0xC180] =	vst v63  }
0x14: {  	s11 =	simm.s32 $0x4180  }
0x15: {  	[tilespmem:s11], [sflag:$0x1] =	stream.indirect.gather [hbm4b:s9+s6], $0x80, s6, s6, $0xb8;
	[tilespmem:$0xC180] =	vst v63  }
0x16: {  	s12 =	simm.s32 $0x8180;
	s13 =	simm.s32 $0x1  }
0x17: {  	[tilespmem:s12], [sflag:$0x1] =	stream.indirect.gather [hbm4b:s9+s6], $0x80, s8, s6, $0xb8;
	[tilespmem:$0xC180] =	vst v63  }
0x18: {  	s15 =	sshll.u32 s15, $0xB;
	_ =	swait.ge [sflag:s13], $0x4000  }
0x19: {  	s16 =	sadd.s32 s15, s14;
	[sflag:s13] =	ssyncset.done $0x0  }
0x1a: {  	s14 =	sadd.s32 $0x42A00, s16;
	[sflag:s13] =	ssyncadd.s32 $0xFFFFC000  }
0x1b: {  	[hbm4b:s14+s2] =	stream.linear.scatter [tilespmem:s10], [sflag:$0x2], $0x4000, $0x38;
	[tilespmem:$0xC180] =	vst v63  }
0x1c: {  	_ =	swait.ge [sflag:s13], $0x4000  }
0x1d: {  	[sflag:s13] =	ssyncset.done $0x0  }
0x1e: {  	s15 =	sadd.s32 $0x52A00, s16;
	[sflag:s13] =	ssyncadd.s32 $0xFFFFC000  }
0x1f: {  	[hbm4b:s15+s2] =	stream.linear.scatter [tilespmem:s11], [sflag:$0x2], $0x4000, $0x38;
	[tilespmem:$0xC180] =	vst v63  }
0x20: {  	s18 =	ssub.s32 $0x2, s18;
	_ =	swait.ge [sflag:s13], $0x4000  }
0x21: {  	s19 =	sshrl.u32 s18, $0x1;
	[sflag:s13] =	ssyncset.done $0x0  }
0x22: {  	s17 =	sadd.s32 $0x62A00, s16;
	s16 =	simm.s32 $0x2;
	[sflag:s13] =	ssyncadd.s32 $0xFFFFC000  }
0x23: {  	[hbm4b:s17+s2] =	stream.linear.scatter [tilespmem:s12], [sflag:$0x2], $0x4000, $0x38;
	[tilespmem:$0xC180] =	vst v63  }
0x24: {  	s18 =	ssub.s32 s18, s19;
	_ =	swait.ge [sflag:s16], $0x4000  }
0x25: {  	s18 =	smax.u32 s18, $0x1;
	[sflag:s16] =	ssyncset.done $0x0  }
0x26: {  	p0 =	sne.s32 s18, $0x1;
	[sflag:s16] =	ssyncadd.s32 $0xFFFFC000  }
.Ltmp0:
0x27: {  	_ =	swait.ge [sflag:s16], $0x4000;
	(pc) =	sbr.rel @!p0 .LBB2_2-.Ltmp0, $4  }
0x28: {  	[sflag:s16] =	ssyncset.done $0x0  }
0x29: {  	[sflag:s16] =	ssyncadd.s32 $0xFFFFC000  }
0x2a: {  	_ =	swait.ge [sflag:s16], $0x4000  }
0x2b: {  	s18 =	sadd.s32 $0xFFFFFFFF, s18;
	[sflag:s16] =	ssyncset.done $0x0  }
.LBB2_1:
0x2c: {  	p0 =	sne.s32 s18, $0x1;
	s18 =	sadd.s32 $0xFFFFFFFF, s18;
	[sflag:s16] =	ssyncadd.s32 $0xFFFFC000  }
0x2d: {  	[tilespmem:s2], [sflag:$0x3] =	stream.linear.gather [hbm4b:s3+s2], $0x80, $0x38;
	[tilespmem:$0xC180] =	vst v63  }
0x2e: {  	_ =	swait.ge [sflag:s4], $0x80  }
0x2f: {  	[sflag:s4] =	ssyncset.done $0x0  }
0x30: {  	[sflag:s4] =	ssyncadd.s32 $0xFFFFFF80  }
0x31: {  	[tilespmem:s6], [sflag:$0x3] =	stream.linear.gather [hbm4b:s5+s2], $0x80, $0x38;
	[tilespmem:$0xC180] =	vst v63  }
0x32: {  	_ =	swait.ge [sflag:s4], $0x80  }
0x33: {  	[sflag:s4] =	ssyncset.done $0x0  }
0x34: {  	[sflag:s4] =	ssyncadd.s32 $0xFFFFFF80  }
0x35: {  	[tilespmem:s8], [sflag:$0x3] =	stream.linear.gather [hbm4b:s7+s2], $0x80, $0x38;
	[tilespmem:$0xC180] =	vst v63  }
0x36: {  	_ =	swait.ge [sflag:s4], $0x80  }
0x37: {  	[sflag:s4] =	ssyncset.done $0x0  }
0x38: {  	[sflag:s4] =	ssyncadd.s32 $0xFFFFFF80  }
0x39: {  	[tilespmem:s10], [sflag:$0x1] =	stream.indirect.gather [hbm4b:s9+s6], $0x80, s2, s6, $0xb8;
	[tilespmem:$0xC180] =	vst v63  }
0x3a: {  	_ = 	snop  }
0x3b: {  	[tilespmem:s11], [sflag:$0x1] =	stream.indirect.gather [hbm4b:s9+s6], $0x80, s6, s6, $0xb8;
	[tilespmem:$0xC180] =	vst v63  }
0x3c: {  	_ = 	snop  }
0x3d: {  	[tilespmem:s12], [sflag:$0x1] =	stream.indirect.gather [hbm4b:s9+s6], $0x80, s8, s6, $0xb8;
	[tilespmem:$0xC180] =	vst v63  }
0x3e: {  	_ =	swait.ge [sflag:s13], $0x4000  }
0x3f: {  	[sflag:s13] =	ssyncset.done $0x0  }
0x40: {  	[sflag:s13] =	ssyncadd.s32 $0xFFFFC000  }
0x41: {  	[hbm4b:s14+s2] =	stream.linear.scatter [tilespmem:s10], [sflag:$0x2], $0x4000, $0x38;
	[tilespmem:$0xC180] =	vst v63  }
0x42: {  	_ =	swait.ge [sflag:s13], $0x4000  }
0x43: {  	[sflag:s13] =	ssyncset.done $0x0  }
0x44: {  	[sflag:s13] =	ssyncadd.s32 $0xFFFFC000  }
0x45: {  	[hbm4b:s15+s2] =	stream.linear.scatter [tilespmem:s11], [sflag:$0x2], $0x4000, $0x38;
	[tilespmem:$0xC180] =	vst v63  }
0x46: {  	_ =	swait.ge [sflag:s13], $0x4000  }
0x47: {  	[sflag:s13] =	ssyncset.done $0x0  }
0x48: {  	[sflag:s13] =	ssyncadd.s32 $0xFFFFC000  }
0x49: {  	[hbm4b:s17+s2] =	stream.linear.scatter [tilespmem:s12], [sflag:$0x2], $0x4000, $0x38;
	[tilespmem:$0xC180] =	vst v63  }
0x4a: {  	_ =	swait.ge [sflag:s16], $0x4000  }
0x4b: {  	[sflag:s16] =	ssyncset.done $0x0  }
0x4c: {  	[sflag:s16] =	ssyncadd.s32 $0xFFFFC000  }
.Ltmp1:
0x4d: {  	_ =	swait.ge [sflag:s16], $0x4000;
	(pc) =	sbr.rel @p0 .LBB2_1-.Ltmp1, $4  }
0x4e: {  	[sflag:s16] =	ssyncset.done $0x0  }
0x4f: {  	[sflag:s16] =	ssyncadd.s32 $0xFFFFC000  }
0x50: {  	_ =	swait.ge [sflag:s16], $0x4000  }
0x51: {  	[sflag:s16] =	ssyncset.done $0x0  }
.LBB2_2:
0x52: {  	[sflag:s16] =	ssyncadd.s32 $0xFFFFC000  }
0x53: {  	_ =	sfence.sel $0x180000  }
0x54: {  	[bflag:$0x0] =	sbarrier.arrive $0xFFFF  }
0x55: {  	p0 =	sne.s32 s0, $0x0;
	_ =	strace $0x9000004A  }
0x56: {  	s0 =	sadd.s32 @!p0 $0x100000, s1;
	[bflag:$0x2] =	sbarrier.arrive $0xFFFF  }
0x57: {  	[sflag:s0] =	ssyncadd.tile.s32 @!p0 $0x1;
	_ =	shalt  }
.Lfunc_end2:
_tile_overlayer_lowered:
.L_overlay_start_2:
0x58: {  	(tag) =	ssettag $0x2  }
0x59: {  	s0 =	rddreg [dreg:$0x0];
	s2 =	stileid.u32  }
0x5a: {  	s1 =	rddreg [dreg:$0x1];
	p0 =	sne.s32 s2, $0x0  }
0x5b: {  	s3 =	rddreg [dreg:$0x2];
	[bflag:$0x3] =	sbarrier.arrive $0xFFFF;
	s2 =	simm.s32 @!p0 $0x1C03  }
0x5c: {  	[timem:s3], [sflag:s2] =	dma.local @!p0 [hbm:s0], s1  }
0x5d: {  	s0 =	simm.s32 @!p0 $0x3  }
0x5e: {  	_ =	swait.ge @!p0 [sflag:s0], s1  }
0x5f: {  	s1 =	ssub.s32 @!p0 $0x0, s1;
	[sflag:s0] =	ssyncset.done @!p0 $0x0  }
0x60: {  	[sflag:s0] =	ssyncadd.s32 @!p0 s1  }
0x61: {  	[bflag:$0x3] =	sbarrier.arrive $0xFFFF  }
0x62: {  	_ =	shalt  }

// kernel: kernel.8.cloned.1.call-start
scs
__scs_entry_jumppad:
0x0: {  	(pc) =	sbr.rel $0x88, $3  }
0x1: {  	(tag) =	ssettag $0x0;
	lr =	simm.s32 $0x1  }
0x2: {  	[smem:$0x3F9E] =	sst lr;
	_ =	strace $0xD0000000  }
0x3: {  	_ = 	snop  }
0x4: {  	_ = 	snop  }
0x5: {  	_ = 	snop  }
0x6: {  	_ = 	snop  }
0x7: {  	_ = 	snop  }
__scs_overlays_trampoline_lowered:
0x8: {  	[smem:$0x3FAD] =	sst s0  }
0x9: {  	[smem:$0x3FAE] =	sst s1  }
0xa: {  	[smem:$0x3FAF] =	sst s2  }
0xb: {  	[smem:$0x3FB0] =	sst s3  }
0xc: {  	[smem:$0x3FB1] =	sst s4  }
0xd: {  	[smem:$0x3FB2] =	sst s5  }
0xe: {  	[smem:$0x3FB3] =	sst s6  }
0xf: {  	[smem:$0x3FB4] =	sst s7  }
0x10: {  	[smem:$0x3FB5] =	sst s8  }
0x11: {  	[smem:$0x3FB6] =	sst s9;
	s0 =	simm.s32 @!p0 $0x0  }
0x12: {  	s1 =	sld [smem:$0x3F9C];
	s0 =	simm.s32 @p0 $0x1  }
0x13: {  	[smem:$0x3FB7] =	sst s0;
	s0 =	simm.s32 @!p1 $0x0  }
0x14: {  	s2 =	sld [smem:$0x3F9B];
	s0 =	simm.s32 @p1 $0x1  }
0x15: {  	[smem:$0x3FB8] =	sst s0;
	s0 =	simm.s32 @!p2 $0x0  }
0x16: {  	s3 =	sld [smem:$0x3FDB];
	s0 =	simm.s32 @p2 $0x1  }
0x17: {  	s4 =	simm.s32 $0x1BF5;
	[smem:$0x3FBA] =	sst s0  }
0x18: {  	s0 =	sld [smem:$0x3F9D];
	_ =	swait.ge [sflag:s4], $0x0  }
0x19: {  	s7 =	sld [smem:$0x3F9E]  }
0x1a: {  	s8 =	sadd.s32 $0xFFFFE003, lr  }
0x1b: {  	s9 =	sadd.s32 $0xFFFFFEF7, lr;
	s5 =	simm.s32 $0xFFFFFFFF;
	p2 =	slt.u32 s8, $0xFFFFF086  }
0x1c: {  	p1 =	slt.u32 s9, $0xF7A;
	s5 =	simm.s32 @!p2 $0x0  }
0x1d: {  	s5 =	simm.s32 @p1 $0x1;
	p0 =	seq.s32 s7, s2  }
0x1e: {  	s7 =	smul.u32 @!p0 $0xF7A, s2;
	p2 =	seq.s32 @!p0 s5, $0x0  }
0x1f: {  	s9 =	smul.u32 $0xF7A, s1;
	s8 =	simm.s32 @!p0 $0x1BF5;
	p2 =	por !p2, p0  }
0x20: {  	[sflag:s8] =	ssyncset.s32 @!p0 $0xFFFFF086;
	s6 =	sadd.s32 @!p0 s3, s7;
	s7 =	simm.s32 @!p0 $0x108  }
0x21: {  	s3 =	sadd.s32 s3, s9;
	s6 =	sadd.s32 @!p0 $0x88, s6;
	s7 =	simm.s32 @p2 $0x1082  }
0x22: {  	[simem:s7], [sflag:s8] =	dma.local @!p0 [hbm:s6], $0xF7A  }
0x23: {  	s9 =	sor.u32 $0xD0000000, s2;
	s6 =	simm.s32 $0x108;
	_ =	swait.ge @!p0 [sflag:s8], $0x0  }
0x24: {  	s3 =	sadd.s32 $0x88, s3;
	s6 =	simm.s32 @!p1 $0x1082;
	[sflag:s4] =	ssyncset.s32 $0xFFFFF086  }
0x25: {  	[simem:s6], [sflag:s4] =	dma.local [hbm:s3], $0xF7A  }
0x26: {  	[smem:$0x3F9E] =	sst s1;
	(tag) =	ssettag s2;
	_ =	strace s9  }
0x27: {  	s1 =	sld [smem:$0x3FAE]  }
0x28: {  	s2 =	sld [smem:$0x3FAF]  }
0x29: {  	s4 =	sld [smem:$0x3FB1]  }
0x2a: {  	p0 =	seq.s32 s5, $0x0;
	s5 =	sld [smem:$0x3FB2]  }
0x2b: {  	s6 =	sld [smem:$0x3FB3]  }
0x2c: {  	s7 =	sld [smem:$0x3FB4]  }
0x2d: {  	s3 =	simm.s32 $0x108;
	s8 =	sld [smem:$0x3FB5]  }
0x2e: {  	s3 =	simm.s32 @!p0 $0x1082;
	s9 =	sld [smem:$0x3FB6]  }
0x2f: {  	lr =	sadd.s32 s0, s3;
	s0 =	sld [smem:$0x3FAD]  }
0x30: {  	s3 =	sld [smem:$0x3FB0]  }
0x31: {  	[smem:$0x3FB9] =	sst s10  }
0x32: {  	s10 =	sld [smem:$0x3FB7];
	_ =	sdelay $0x3  }
0x33: {  	p0 =	seq.s32 s10, $0x1;
	s10 =	sld [smem:$0x3FB9];
	_ =	sdelay $0x3  }
0x34: {  	[smem:$0x3FB9] =	sst s10  }
0x35: {  	s10 =	sld [smem:$0x3FB8];
	_ =	sdelay $0x3  }
0x36: {  	p1 =	seq.s32 s10, $0x1;
	s10 =	sld [smem:$0x3FB9];
	_ =	sdelay $0x3  }
0x37: {  	[smem:$0x3FB9] =	sst s10  }
0x38: {  	s10 =	sld [smem:$0x3FBA]  }
0x39: {  	_ = 	snop;
	(pc) =	sbr.ind lr, $3  }
0x3a: {  	_ = 	snop  }
0x3b: {  	_ = 	snop  }
0x3c: {  	p2 =	seq.s32 s10, $0x1;
	s10 =	sld [smem:$0x3FB9]  }
0x3d: {  	_ =	shalt  }
0x3e: {  	_ =	shalt  }
0x3f: {  	_ =	shalt  }
0x40: {  	_ =	shalt  }
0x41: {  	_ =	shalt  }
0x42: {  	_ =	shalt  }
0x43: {  	_ =	shalt  }
0x44: {  	_ =	shalt  }
0x45: {  	_ =	shalt  }
0x46: {  	_ =	shalt  }
0x47: {  	_ =	shalt  }
0x48: {  	_ =	shalt  }
0x49: {  	_ =	shalt  }
0x4a: {  	_ =	shalt  }
0x4b: {  	_ =	shalt  }
0x4c: {  	_ =	shalt  }
0x4d: {  	_ =	shalt  }
0x4e: {  	_ =	shalt  }
0x4f: {  	_ =	shalt  }
0x50: {  	_ =	shalt  }
0x51: {  	_ =	shalt  }
0x52: {  	_ =	shalt  }
0x53: {  	_ =	shalt  }
0x54: {  	_ =	shalt  }
0x55: {  	_ =	shalt  }
0x56: {  	_ =	shalt  }
0x57: {  	_ =	shalt  }
0x58: {  	_ =	shalt  }
0x59: {  	_ =	shalt  }
0x5a: {  	_ =	shalt  }
0x5b: {  	_ =	shalt  }
0x5c: {  	_ =	shalt  }
0x5d: {  	_ =	shalt  }
0x5e: {  	_ =	shalt  }
0x5f: {  	_ =	shalt  }
0x60: {  	_ =	shalt  }
0x61: {  	_ =	shalt  }
0x62: {  	_ =	shalt  }
0x63: {  	_ =	shalt  }
0x64: {  	_ =	shalt  }
0x65: {  	_ =	shalt  }
0x66: {  	_ =	shalt  }
0x67: {  	_ =	shalt  }
0x68: {  	_ =	shalt  }
0x69: {  	_ =	shalt  }
0x6a: {  	_ =	shalt  }
0x6b: {  	_ =	shalt  }
0x6c: {  	_ =	shalt  }
0x6d: {  	_ =	shalt  }
0x6e: {  	_ =	shalt  }
0x6f: {  	_ =	shalt  }
0x70: {  	_ =	shalt  }
0x71: {  	_ =	shalt  }
0x72: {  	_ =	shalt  }
0x73: {  	_ =	shalt  }
0x74: {  	_ =	shalt  }
0x75: {  	_ =	shalt  }
0x76: {  	_ =	shalt  }
0x77: {  	_ =	shalt  }
0x78: {  	_ =	shalt  }
0x79: {  	_ =	shalt  }
0x7a: {  	_ =	shalt  }
0x7b: {  	_ =	shalt  }
0x7c: {  	_ =	shalt  }
0x7d: {  	_ =	shalt  }
0x7e: {  	_ =	shalt  }
0x7f: {  	_ =	shalt  }
0x80: {  	_ =	shalt  }
0x81: {  	_ =	shalt  }
0x82: {  	_ =	shalt  }
0x83: {  	_ =	shalt  }
0x84: {  	_ =	shalt  }
0x85: {  	_ =	shalt  }
0x86: {  	_ =	shalt  }
0x87: {  	_ =	shalt  }
.Lfunc_end0:
.L_simem_size_0:
called_computation_lowered:
.L_overlay_start_0:
0x88: {  	s2 =	sld [smem:$0x3FD9]  }
0x89: {  	s3 =	sld [smem:$0x3FFE];
	_ =	sdelay $0x1  }
0x8a: {  	s1 =	srdreg.scid  }
0x8b: {  	s0 =	sand.u32 $0x1, s1  }
0x8c: {  	s17 =	sshll.u32 s0, $0xA;
	s2 =	sadd.s32 s3, s2  }
0x8d: {  	s2 =	sadd.s32 s2, s17  }
0x8e: {  	[smem:$0x3FC5] =	sst s2  }
0x8f: {  	_ = 	snop  }
0x90: {  	s2 =	sld [smem:$0x3FD0];
	(tm) =	ssettm $0x1  }
0x91: {  	s18 =	sld [smem:$0x3FFB];
	_ =	sdelay $0x3  }
0x92: {  	_ =	strace s18  }
0x93: {  	s3 =	sld [smem:$0x3FFC];
	_ =	sdelay $0x3  }
0x94: {  	_ =	strace s3  }
0x95: {  	s3 =	sld [smem:$0x3FFD];
	_ =	sdelay $0x3  }
0x96: {  	_ =	strace s3  }
0x97: {  	_ =	strace $0x8FFFFFFF  }
0x98: {  	s19 =	sld [smem:$0x3FDB];
	_ =	sdelay $0x1  }
0x99: {  	s4 =	simm.s32 $_scs_section_size  }
0x9a: {  	s5 =	simm.s32 $_size__tile_overlayer_lowered;
	s6 =	simm.s32 $_tile_overlayer_lowered  }
0x9b: {  	s22 =	simm.s32 $0x1BFF;
	s21 =	sshll.u32 s6, $0x1;
	s3 =	sadd.s32 s4, s19  }
0x9c: {  	s7 =	simm.s32 $0x0;
	s20 =	sshll.u32 s5, $0x1;
	s5 =	sadd.s32 s21, s3  }
0x9d: {  	[timem:s7], [sflag:s22] =	dma.local [hbm:s5], s20  }
0x9e: {  	_ =	swait.ge [sflag:s22], s20  }
0x9f: {  	s4 =	ssub.s32 $0x0, s20;
	[sflag:s22] =	ssyncset.done $0x0  }
0xa0: {  	[sflag:s22] =	ssyncadd.s32 s4;
	_ =	sdelay $0x1  }
0xa1: {  	s23 =	simm.s32 $0x1B8B  }
0xa2: {  	_ =	swait.ge [sflag:s23], $0x1  }
0xa3: {  	[sflag:s23] =	ssyncset.done $0x0  }
0xa4: {  	s25 =	simm.s32 $0x1B8E;
	s24 =	sld [smem:$0x3FFE];
	[sflag:s23] =	ssyncadd.s32 $0xFFFFFFFF  }
0xa5: {  	s26 =	simm.s32 $execute0_lowered;
	[smem:$0x3FD2] =	sst s25  }
0xa6: {  	s5 =	sshll.u32 s26, $0x1;
	_ =	strace $0x80000046;
	[dreg:$0x1] =	wrdreg $0xFFFFFFFF  }
0xa7: {  	s28 =	simm.s32 $_size_execute0_lowered;
	s3 =	sadd.s32 s3, s5;
	[dreg:$0x0] =	wrdreg $0x0  }
0xa8: {  	s5 =	sshll.u32 s28, $0x1;
	[dreg:$0x2] =	wrdreg s3  }
0xa9: {  	[dreg:$0x3] =	wrdreg s5  }
0xaa: {  	[dreg:$0x4] =	wrdreg $0xC0  }
0xab: {  	_ =	task [dreg:s7], $0x5FFFF  }
0xac: {  	[dreg:$0x1] =	wrdreg $0xFFFFFFFF  }
0xad: {  	[dreg:$0x0] =	wrdreg $0x60  }
0xae: {  	[dreg:$0x2] =	wrdreg s2  }
0xaf: {  	[dreg:$0x3] =	wrdreg s24  }
0xb0: {  	[dreg:$0x4] =	wrdreg $0x9  }
0xb1: {  	_ =	task.clear_ibuf [dreg:s7], $0x5FFFF;
	_ =	strace $0x90000046  }
0xb2: {  	s29 =	simm.s32 $0x9;
	_ =	strace $0x80000048  }
0xb3: {  	_ =	swait.ge [sflag:s29], $0x1  }
0xb4: {  	[sflag:s29] =	ssyncadd.s32 $0xFFFFFFFF  }
0xb5: {  	_ =	strace $0x90000048  }
0xb6: {  	_ =	sfence  }
0xb7: {  	s30 =	sld [smem:$0x0];
	_ =	sdelay $0x2  }
0xb8: {  	s31 =	sshll.u32 s1, $0xD;
	s1 =	sshrl.u32 s1, $0x2  }
0xb9: {  	s3 =	sand.u32 $0x4000, s31;
	s1 =	sadd.s32 s1, s30  }
0xba: {  	s0 =	sor.u32 s3, s0;
	s1 =	sshll.u32 s1, $0x11  }
0xbb: {  	s0 =	sor.u32 s1, s0  }
0xbc: {  	s0 =	sadd.s32 $0x8F2B, s0  }
0xbd: {  	[sflag:s0] =	ssyncadd.remote.s32 $0x1  }
0xbe: {  	_ =	sfence.sel $0xFFFF  }
0xbf: {  	[dreg:$0x0] =	wrdreg $0xFFFFFFFF;
	(pc) =	sbr.abs _section_cstart, $3  }
0xc0: {  	[dreg:$0x1] =	wrdreg $0xFFFFFFFF  }
0xc1: {  	_ =	task.clear_ibuf [dreg:s7], $0x2FFFF;
	_ =	strace $0x9FFFFFFF  }
0xc2: {  	(tm) =	ssettm $0x7FFFFFFF  }
0xc3: {  	_ =	shalt  }
tec
execute0_lowered:
.L_overlay_start_1:
0x0: {  	(tag) =	ssettag $0x1  }
0x1: {  	s1 =	srdreg.scid;
	s0 =	stileid.u32  }
0x2: {  	s18 =	sand.u32 $0x1, s1;
	s31 =	sshll.u32 s0, $0x1  }
0x3: {  	s2 =	rddreg [dreg:$0x0];
	s15 =	sor.u32 s18, s31  }
0x4: {  	s14 =	rddreg [dreg:$0x1];
	s3 =	simm.s32 $0x0;
	s4 =	sshll.u32 s15, $0x4  }
0x5: {  	s5 =	simm.s32 $0x3;
	[smem:$0x7FF] =	sst s3;
	s8 =	sadd.s32 s4, s14  }
0x6: {  	s1 =	rddreg [dreg:$0x2];
	_ =	strace $0x80000047;
	s4 =	sadd.s32 $0x1E00, s8  }
0x7: {  	[tilespmem:s3], [sflag:$0x3] =	stream.linear.gather [hbm4b:s4+s3], $0x80, $0x38;
	[tilespmem:$0xC180] =	vst v63  }
0x8: {  	_ =	swait.ge [sflag:s5], $0x80  }
0x9: {  	[sflag:s5] =	ssyncset.done $0x0  }
0xa: {  	s7 =	simm.s32 $0x80;
	s6 =	sadd.s32 $0x2000, s8;
	[sflag:s5] =	ssyncadd.s32 $0xFFFFFF80  }
0xb: {  	[tilespmem:s7], [sflag:$0x3] =	stream.linear.gather [hbm4b:s6+s3], $0x80, $0x38;
	[tilespmem:$0xC180] =	vst v63  }
0xc: {  	_ =	swait.ge [sflag:s5], $0x80  }
0xd: {  	[sflag:s5] =	ssyncset.done $0x0  }
0xe: {  	s9 =	simm.s32 $0x100;
	s8 =	sadd.s32 $0x2200, s8;
	[sflag:s5] =	ssyncadd.s32 $0xFFFFFF80  }
0xf: {  	[tilespmem:s9], [sflag:$0x3] =	stream.linear.gather [hbm4b:s8+s3], $0x80, $0x38;
	[tilespmem:$0xC180] =	vst v63  }
0x10: {  	_ =	swait.ge [sflag:s5], $0x80  }
0x11: {  	[sflag:s5] =	ssyncset.done $0x0  }
0x12: {  	s10 =	simm.s32 $0x180;
	[sflag:s5] =	ssyncadd.s32 $0xFFFFFF80  }
0x13: {  	[tilespmem:s10], [sflag:$0x1] =	stream.indirect.gather [hbm4b:s2+s7], $0x80, s3, s7, $0xb8;
	[tilespmem:$0xC180] =	vst v63  }
0x14: {  	s11 =	simm.s32 $0x4180  }
0x15: {  	[tilespmem:s11], [sflag:$0x1] =	stream.indirect.gather [hbm4b:s2+s7], $0x80, s7, s7, $0xb8;
	[tilespmem:$0xC180] =	vst v63  }
0x16: {  	s12 =	simm.s32 $0x8180;
	s13 =	simm.s32 $0x1  }
0x17: {  	[tilespmem:s12], [sflag:$0x1] =	stream.indirect.gather [hbm4b:s2+s7], $0x80, s9, s7, $0xb8;
	[tilespmem:$0xC180] =	vst v63  }
0x18: {  	s15 =	sshll.u32 s15, $0xB;
	_ =	swait.ge [sflag:s13], $0x4000  }
0x19: {  	s16 =	sadd.s32 s15, s14;
	[sflag:s13] =	ssyncset.done $0x0  }
0x1a: {  	s14 =	sadd.s32 $0x2400, s16;
	[sflag:s13] =	ssyncadd.s32 $0xFFFFC000  }
0x1b: {  	[hbm4b:s14+s3] =	stream.linear.scatter [tilespmem:s10], [sflag:$0x2], $0x4000, $0x38;
	[tilespmem:$0xC180] =	vst v63  }
0x1c: {  	_ =	swait.ge [sflag:s13], $0x4000  }
0x1d: {  	[sflag:s13] =	ssyncset.done $0x0  }
0x1e: {  	s15 =	sadd.s32 $0x12400, s16;
	[sflag:s13] =	ssyncadd.s32 $0xFFFFC000  }
0x1f: {  	[hbm4b:s15+s3] =	stream.linear.scatter [tilespmem:s11], [sflag:$0x2], $0x4000, $0x38;
	[tilespmem:$0xC180] =	vst v63  }
0x20: {  	s18 =	ssub.s32 $0x2, s18;
	_ =	swait.ge [sflag:s13], $0x4000  }
0x21: {  	s19 =	sshrl.u32 s18, $0x1;
	[sflag:s13] =	ssyncset.done $0x0  }
0x22: {  	s17 =	sadd.s32 $0x22400, s16;
	s16 =	simm.s32 $0x2;
	[sflag:s13] =	ssyncadd.s32 $0xFFFFC000  }
0x23: {  	[hbm4b:s17+s3] =	stream.linear.scatter [tilespmem:s12], [sflag:$0x2], $0x4000, $0x38;
	[tilespmem:$0xC180] =	vst v63  }
0x24: {  	s18 =	ssub.s32 s18, s19;
	_ =	swait.ge [sflag:s16], $0x4000  }
0x25: {  	s18 =	smax.u32 s18, $0x1;
	[sflag:s16] =	ssyncset.done $0x0  }
0x26: {  	p0 =	sne.s32 s18, $0x1;
	[sflag:s16] =	ssyncadd.s32 $0xFFFFC000  }
.Ltmp0:
0x27: {  	_ =	swait.ge [sflag:s16], $0x4000;
	(pc) =	sbr.rel @!p0 .LBB2_2-.Ltmp0, $4  }
0x28: {  	[sflag:s16] =	ssyncset.done $0x0  }
0x29: {  	[sflag:s16] =	ssyncadd.s32 $0xFFFFC000  }
0x2a: {  	_ =	swait.ge [sflag:s16], $0x4000  }
0x2b: {  	s18 =	sadd.s32 $0xFFFFFFFF, s18;
	[sflag:s16] =	ssyncset.done $0x0  }
.LBB2_1:
0x2c: {  	p0 =	sne.s32 s18, $0x1;
	s18 =	sadd.s32 $0xFFFFFFFF, s18;
	[sflag:s16] =	ssyncadd.s32 $0xFFFFC000  }
0x2d: {  	[tilespmem:s3], [sflag:$0x3] =	stream.linear.gather [hbm4b:s4+s3], $0x80, $0x38;
	[tilespmem:$0xC180] =	vst v63  }
0x2e: {  	_ =	swait.ge [sflag:s5], $0x80  }
0x2f: {  	[sflag:s5] =	ssyncset.done $0x0  }
0x30: {  	[sflag:s5] =	ssyncadd.s32 $0xFFFFFF80  }
0x31: {  	[tilespmem:s7], [sflag:$0x3] =	stream.linear.gather [hbm4b:s6+s3], $0x80, $0x38;
	[tilespmem:$0xC180] =	vst v63  }
0x32: {  	_ =	swait.ge [sflag:s5], $0x80  }
0x33: {  	[sflag:s5] =	ssyncset.done $0x0  }
0x34: {  	[sflag:s5] =	ssyncadd.s32 $0xFFFFFF80  }
0x35: {  	[tilespmem:s9], [sflag:$0x3] =	stream.linear.gather [hbm4b:s8+s3], $0x80, $0x38;
	[tilespmem:$0xC180] =	vst v63  }
0x36: {  	_ =	swait.ge [sflag:s5], $0x80  }
0x37: {  	[sflag:s5] =	ssyncset.done $0x0  }
0x38: {  	[sflag:s5] =	ssyncadd.s32 $0xFFFFFF80  }
0x39: {  	[tilespmem:s10], [sflag:$0x1] =	stream.indirect.gather [hbm4b:s2+s7], $0x80, s3, s7, $0xb8;
	[tilespmem:$0xC180] =	vst v63  }
0x3a: {  	_ = 	snop  }
0x3b: {  	[tilespmem:s11], [sflag:$0x1] =	stream.indirect.gather [hbm4b:s2+s7], $0x80, s7, s7, $0xb8;
	[tilespmem:$0xC180] =	vst v63  }
0x3c: {  	_ = 	snop  }
0x3d: {  	[tilespmem:s12], [sflag:$0x1] =	stream.indirect.gather [hbm4b:s2+s7], $0x80, s9, s7, $0xb8;
	[tilespmem:$0xC180] =	vst v63  }
0x3e: {  	_ =	swait.ge [sflag:s13], $0x4000  }
0x3f: {  	[sflag:s13] =	ssyncset.done $0x0  }
0x40: {  	[sflag:s13] =	ssyncadd.s32 $0xFFFFC000  }
0x41: {  	[hbm4b:s14+s3] =	stream.linear.scatter [tilespmem:s10], [sflag:$0x2], $0x4000, $0x38;
	[tilespmem:$0xC180] =	vst v63  }
0x42: {  	_ =	swait.ge [sflag:s13], $0x4000  }
0x43: {  	[sflag:s13] =	ssyncset.done $0x0  }
0x44: {  	[sflag:s13] =	ssyncadd.s32 $0xFFFFC000  }
0x45: {  	[hbm4b:s15+s3] =	stream.linear.scatter [tilespmem:s11], [sflag:$0x2], $0x4000, $0x38;
	[tilespmem:$0xC180] =	vst v63  }
0x46: {  	_ =	swait.ge [sflag:s13], $0x4000  }
0x47: {  	[sflag:s13] =	ssyncset.done $0x0  }
0x48: {  	[sflag:s13] =	ssyncadd.s32 $0xFFFFC000  }
0x49: {  	[hbm4b:s17+s3] =	stream.linear.scatter [tilespmem:s12], [sflag:$0x2], $0x4000, $0x38;
	[tilespmem:$0xC180] =	vst v63  }
0x4a: {  	_ =	swait.ge [sflag:s16], $0x4000  }
0x4b: {  	[sflag:s16] =	ssyncset.done $0x0  }
0x4c: {  	[sflag:s16] =	ssyncadd.s32 $0xFFFFC000  }
.Ltmp1:
0x4d: {  	_ =	swait.ge [sflag:s16], $0x4000;
	(pc) =	sbr.rel @p0 .LBB2_1-.Ltmp1, $4  }
0x4e: {  	[sflag:s16] =	ssyncset.done $0x0  }
0x4f: {  	[sflag:s16] =	ssyncadd.s32 $0xFFFFC000  }
0x50: {  	_ =	swait.ge [sflag:s16], $0x4000  }
0x51: {  	[sflag:s16] =	ssyncset.done $0x0  }
.LBB2_2:
0x52: {  	[sflag:s16] =	ssyncadd.s32 $0xFFFFC000  }
0x53: {  	_ =	sfence.sel $0x180000  }
0x54: {  	[bflag:$0x0] =	sbarrier.arrive $0xFFFF  }
0x55: {  	p0 =	sne.s32 s0, $0x0;
	_ =	strace $0x90000047  }
0x56: {  	s0 =	sadd.s32 @!p0 $0x100000, s1;
	[bflag:$0x2] =	sbarrier.arrive $0xFFFF  }
0x57: {  	[sflag:s0] =	ssyncadd.tile.s32 @!p0 $0x1;
	_ =	shalt  }
.Lfunc_end2:
_tile_overlayer_lowered:
.L_overlay_start_2:
0x58: {  	(tag) =	ssettag $0x2  }
0x59: {  	s0 =	rddreg [dreg:$0x0];
	s2 =	stileid.u32  }
0x5a: {  	s1 =	rddreg [dreg:$0x1];
	p0 =	sne.s32 s2, $0x0  }
0x5b: {  	s3 =	rddreg [dreg:$0x2];
	[bflag:$0x3] =	sbarrier.arrive $0xFFFF;
	s2 =	simm.s32 @!p0 $0x1C03  }
0x5c: {  	[timem:s3], [sflag:s2] =	dma.local @!p0 [hbm:s0], s1  }
0x5d: {  	s0 =	simm.s32 @!p0 $0x3  }
0x5e: {  	_ =	swait.ge @!p0 [sflag:s0], s1  }
0x5f: {  	s1 =	ssub.s32 @!p0 $0x0, s1;
	[sflag:s0] =	ssyncset.done @!p0 $0x0  }
0x60: {  	[sflag:s0] =	ssyncadd.s32 @!p0 s1  }
0x61: {  	[bflag:$0x3] =	sbarrier.arrive $0xFFFF  }
0x62: {  	_ =	shalt  }

</sc_bundles>
